<compile_context>
chip_gen: v7x
topology: tpu7x:2x2x1
jax: 0.10.2.dev20260603
libtpu: 0.0.44.dev20260713+nightly
codegen_flags: <defaults>
</compile_context>

<pallas_src>
import functools

import jax
import jax.numpy as jnp
from jax import lax
from jax.experimental import pallas as pl
from jax.experimental.pallas import tpu as pltpu
from jax.experimental.pallas import tpu_sc as plsc

NC = 2
NS = 16
NW = NC * NS
CH = 96
NB = 3
STEP = 16
TRASH = 8


def _encode_body(x_ref, w_ref, b_ref, o_ref):
    acc = jnp.dot(x_ref[...], w_ref[...], preferred_element_type=jnp.float32)
    o_ref[...] = jnp.maximum(acc + b_ref[...], 0.0)


def _encode(x, w, b2d, block_rows):
    n, d = x.shape
    h = w.shape[1]
    grid = n // block_rows
    return pl.pallas_call(
        _encode_body,
        grid=(grid,),
        in_specs=[
            pl.BlockSpec((block_rows, d), lambda i: (i, 0)),
            pl.BlockSpec((d, h), lambda i: (0, 0)),
            pl.BlockSpec((1, h), lambda i: (0, 0)),
        ],
        out_specs=pl.BlockSpec((block_rows, h), lambda i: (i, 0)),
        out_shape=jax.ShapeDtypeStruct((n, h), jnp.float32),
    )(x, w, b2d)


def _make_sc_segment_sum(n, hdim, nchunk):
    base = (n // NS) // 8 * 8
    rem = n - NS * base
    npass = -(-nchunk // STEP)
    mesh = plsc.VectorSubcoreMesh(core_axis_name="c", subcore_axis_name="s")

    @functools.partial(
        pl.kernel,
        mesh=mesh,
        out_type=jax.ShapeDtypeStruct((NC, n, hdim), jnp.float32),
        scratch_types=[
            pltpu.VMEM((2, STEP, CH), jnp.int32),
            pltpu.VMEM((2, STEP, CH), jnp.int32),
            pltpu.VMEM((CH, hdim), jnp.float32),
            pltpu.VMEM((CH, hdim), jnp.float32),
            pltpu.VMEM((CH, hdim), jnp.float32),
            pltpu.VMEM_SHARED((n + TRASH, hdim), jnp.float32),
            pltpu.SemaphoreType.DMA,
            pltpu.SemaphoreType.DMA,
            pltpu.SemaphoreType.DMA,
            pltpu.SemaphoreType.DMA,
            pltpu.SemaphoreType.DMA,
            pltpu.SemaphoreType.DMA,
            pltpu.SemaphoreType.DMA,
            pltpu.SemaphoreType.DMA,
        ],
    )
    def sc_seg_sum(h_hbm, src_hbm, dst_hbm, zeros_hbm, out_hbm,
                   src_v, dst_v, rows0_v, rows1_v, rows2_v, agg_sh,
                   sem0, sem1, sem2, ssem0, ssem1, ssem2, isem_s, isem_d):
        c = lax.axis_index("c")
        s = lax.axis_index("s")
        wid = s * NC + c
        row0 = s * base
        pltpu.async_copy(src_hbm.at[wid, pl.ds(0, STEP)], src_v.at[0],
                         isem_s)
        pltpu.async_copy(dst_hbm.at[wid, pl.ds(0, STEP)], dst_v.at[0],
                         isem_d)
        pltpu.sync_copy(zeros_hbm.at[pl.ds(row0, base)],
                        agg_sh.at[pl.ds(row0, base)])

        @pl.when(s == NS - 1)
        def _zero_tail():
            pltpu.sync_copy(zeros_hbm.at[pl.ds(NS * base, rem)],
                            agg_sh.at[pl.ds(NS * base, rem)])
        plsc.subcore_barrier()
        pltpu.make_async_copy(src_hbm.at[wid, pl.ds(0, STEP)], src_v.at[0],
                              isem_s).wait()
        pltpu.make_async_copy(dst_hbm.at[wid, pl.ds(0, STEP)], dst_v.at[0],
                              isem_d).wait()

        bufs = (rows0_v, rows1_v, rows2_v)
        gsems = (sem0, sem1, sem2)
        ssems = (ssem0, ssem1, ssem2)
        for b in range(NB - 1):
            pltpu.async_copy(h_hbm.at[src_v.at[0, b]], bufs[b], gsems[b])

        def body(t, carry):
            j0 = t * NB
            for b in range(NB):
                j = j0 + b
                p = j // STEP
                sl = lax.rem(p, 2)
                jo = lax.rem(j, STEP)

                pltpu.make_async_copy(h_hbm.at[src_v.at[sl, jo]], bufs[b],
                                      gsems[b]).wait()
                pltpu.async_copy(bufs[b], agg_sh.at[dst_v.at[sl, jo]],
                                 ssems[b], add=True)
                jp = j - 1
                bp = (b - 1) % NB

                @pl.when(jp >= 0)
                def _wait_prev_scatter():
                    pp = jp // STEP
                    slp = lax.rem(pp, 2)
                    jpo = lax.rem(jp, STEP)
                    pltpu.make_async_copy(bufs[bp],
                                          agg_sh.at[dst_v.at[slp, jpo]],
                                          ssems[bp]).wait()

                @pl.when(jnp.logical_and(jo == 0, p + 1 < npass))
                def _prefetch():
                    q = p + 1
                    sq = lax.rem(q, 2)
                    pltpu.async_copy(src_hbm.at[wid, pl.ds(q * STEP, STEP)],
                                     src_v.at[sq], isem_s)
                    pltpu.async_copy(dst_hbm.at[wid, pl.ds(q * STEP, STEP)],
                                     dst_v.at[sq], isem_d)

                jn = j + NB - 1

                @pl.when(jn < nchunk)
                def _next():
                    pn = jn // STEP
                    sn = lax.rem(pn, 2)
                    jno = lax.rem(jn, STEP)

                    @pl.when(jno == 0)
                    def _wait_idx():
                        pltpu.make_async_copy(
                            src_hbm.at[wid, pl.ds(pn * STEP, STEP)],
                            src_v.at[sn], isem_s).wait()
                        pltpu.make_async_copy(
                            dst_hbm.at[wid, pl.ds(pn * STEP, STEP)],
                            dst_v.at[sn], isem_d).wait()
                    pltpu.async_copy(h_hbm.at[src_v.at[sn, jno]],
                                     bufs[bp], gsems[bp])
            return carry

        lax.fori_loop(0, nchunk // NB, body, 0)
        for j in range(nchunk // NB * NB, nchunk):
            b = j % NB
            sl = (j // STEP) % 2
            pltpu.make_async_copy(h_hbm.at[src_v.at[sl, j % STEP]], bufs[b],
                                  gsems[b]).wait()
            pltpu.async_copy(bufs[b], agg_sh.at[dst_v.at[sl, j % STEP]],
                             ssems[b], add=True)
            jp = j - 1
            if jp >= 0:
                bp = jp % NB
                slp = (jp // STEP) % 2
                pltpu.make_async_copy(bufs[bp],
                                      agg_sh.at[dst_v.at[slp, jp % STEP]],
                                      ssems[bp]).wait()
        j = nchunk - 1
        pltpu.make_async_copy(bufs[j % NB],
                              agg_sh.at[dst_v.at[(j // STEP) % 2,
                                                 j % STEP]],
                              ssems[j % NB]).wait()
        plsc.subcore_barrier()
        pltpu.sync_copy(agg_sh.at[pl.ds(row0, base)],
                        out_hbm.at[c, pl.ds(row0, base)])

        @pl.when(s == NS - 1)
        def _out_tail():
            pltpu.sync_copy(agg_sh.at[pl.ds(NS * base, rem)],
                            out_hbm.at[c, pl.ds(NS * base, rem)])

    return sc_seg_sum


def _final_body(p_ref, h_ref, wm_ref, bm_ref, w1_ref, b1_ref, w2_ref, b2_ref,
                o_ref):
    agg = p_ref[0] + p_ref[1]
    t = jnp.dot(agg, wm_ref[...], preferred_element_type=jnp.float32)
    t = jnp.maximum(t + bm_ref[...], 0.0) + h_ref[...]
    hid = jnp.dot(t, w1_ref[...], preferred_element_type=jnp.float32)
    hid = jnp.maximum(hid + b1_ref[...], 0.0)
    o_ref[...] = jnp.dot(hid, w2_ref[...],
                         preferred_element_type=jnp.float32) + b2_ref[...]


def _final(parts, h, wm, bm2d, w1, b12d, w2, b22d, block_rows):
    n, hdim = h.shape
    grid = n // block_rows
    return pl.pallas_call(
        _final_body,
        grid=(grid,),
        in_specs=[
            pl.BlockSpec((NC, block_rows, hdim), lambda i: (0, i, 0)),
            pl.BlockSpec((block_rows, hdim), lambda i: (i, 0)),
            pl.BlockSpec((hdim, hdim), lambda i: (0, 0)),
            pl.BlockSpec((1, hdim), lambda i: (0, 0)),
            pl.BlockSpec((hdim, hdim), lambda i: (0, 0)),
            pl.BlockSpec((1, hdim), lambda i: (0, 0)),
            pl.BlockSpec((hdim, 1), lambda i: (0, 0)),
            pl.BlockSpec((1, 1), lambda i: (0, 0)),
        ],
        out_specs=pl.BlockSpec((block_rows, 1), lambda i: (i, 0)),
        out_shape=jax.ShapeDtypeStruct((n, 1), jnp.float32),
    )(parts, h, wm, bm2d, w1, b12d, w2, b22d)


def kernel(x, edge_index, W_enc, b_enc, W_msg, b_msg, W_out1, b_out1,
           W_out2, b_out2):
    n, d = x.shape
    hdim = W_enc.shape[1]
    e = edge_index.shape[1]
    nchunk = -(-e // (NW * CH))

    h = _encode(x, W_enc, b_enc.reshape(1, hdim), block_rows=1000)

    idt = edge_index.dtype
    pad = NW * nchunk * CH - e
    fill = jnp.arange(pad, dtype=idt)
    src = jnp.concatenate(
        [edge_index[0], fill % n]).reshape(NW, nchunk, CH)
    dst = jnp.concatenate(
        [edge_index[1], n + fill % TRASH]).reshape(NW, nchunk, CH)
    cpad = -(-nchunk // STEP) * STEP - nchunk
    src = jnp.pad(src, ((0, 0), (0, cpad), (0, 0)))
    dst = jnp.pad(dst, ((0, 0), (0, cpad), (0, 0)))
    zeros = jnp.zeros((n, hdim), jnp.float32)
    parts = _make_sc_segment_sum(n, hdim, nchunk)(h, src, dst, zeros)

    return _final(parts, h, W_msg, b_msg.reshape(1, hdim), W_out1,
                  b_out1.reshape(1, hdim), W_out2, b_out2.reshape(1, 1),
                  block_rows=1000)

# --- scband reference (transcript-rebuilt; emitter-appended) ---
"""Pipeline reference for scband-zero-shot-model-10239202034116 (READ-ONLY COPY).

The authoritative reference and input builder live on the scoring server;
editing this copy changes nothing except your own understanding.
"""

import jax, jax.numpy as jnp
import numpy as np

N = 10000
E = 320000
D = 128
H = 128


def setup_inputs(seed: int = 0) -> dict:
    key = jax.random.key(seed)
    ks = jax.random.split(key, 12)
    x = jax.random.normal(ks[0], (N, D), dtype=jnp.float32)
    edge_index = jax.random.randint(ks[1], (2, E), 0, N, dtype=jnp.int32)
    # Node-type encoder MLP (NodeTypeEncoder -> hidden_dim)
    W_enc = jax.random.normal(ks[2], (D, H), dtype=jnp.float32) * (1.0 / np.sqrt(D))
    b_enc = jnp.zeros((H,), dtype=jnp.float32)
    # Tree/message-passing edge model (message_aggregator MLP on aggregated messages)
    W_msg = jax.random.normal(ks[3], (H, H), dtype=jnp.float32) * (1.0 / np.sqrt(H))
    b_msg = jnp.zeros((H,), dtype=jnp.float32)
    # Final FcOutModel: hidden -> hidden -> output_dim=1
    W_out1 = jax.random.normal(ks[4], (H, H), dtype=jnp.float32) * (1.0 / np.sqrt(H))
    b_out1 = jnp.zeros((H,), dtype=jnp.float32)
    W_out2 = jax.random.normal(ks[5], (H, 1), dtype=jnp.float32) * (1.0 / np.sqrt(H))
    b_out2 = jnp.zeros((1,), dtype=jnp.float32)
    return {
        "x": x,
        "edge_index": edge_index,
        "W_enc": W_enc,
        "b_enc": b_enc,
        "W_msg": W_msg,
        "b_msg": b_msg,
        "W_out1": W_out1,
        "b_out1": b_out1,
        "W_out2": W_out2,
        "b_out2": b_out2,
    }


def reference(x, edge_index, W_enc, b_enc, W_msg, b_msg, W_out1, b_out1, W_out2, b_out2):
    # 1) encode_node_types: node-type encoder MLP initializes hidden states
    h = jax.nn.relu(x @ W_enc + b_enc)
    # 2) message_passing (bottom-up pass direction): gather from src, scatter-add to dst
    src = edge_index[0]
    dst = edge_index[1]
    msg = jnp.take(h, src, axis=0)  # gather [E, H]
    agg = jax.ops.segment_sum(msg, dst, num_segments=N)  # scatter-add [N, H]
    # edge model combines aggregated messages with current hidden state
    h = jax.nn.relu(agg @ W_msg + b_msg) + h
    # 3) fcout: final MLP producing logits / runtime prediction
    hid = jax.nn.relu(h @ W_out1 + b_out1)
    out = hid @ W_out2 + b_out2
    return out

if __name__ == "__main__":
    import jax
    _d = setup_inputs()
    print(jax.jit(kernel)(*tuple(_d.values())))

</pallas_src>

<mosaic_0001>
#map = affine_map<(d0, d1) -> (0, 0)>
#map1 = affine_map<(d0, d1) -> (0, 0, 0)>
module attributes {stable_mosaic.version = 14 : i64} {
  func.func @sc_seg_sum(%arg0: i32, %arg1: i32, %arg2: memref<10000x128xf32, #tpu.memory_space<hbm>>, %arg3: memref<32x112x96xi32, #tpu.memory_space<hbm>>, %arg4: memref<32x112x96xi32, #tpu.memory_space<hbm>>, %arg5: memref<10000x128xf32, #tpu.memory_space<hbm>>, %arg6: memref<2x10000x128xf32, #tpu.memory_space<hbm>>, %arg7: memref<2x16x96xi32, #tpu.memory_space<vmem>>, %arg8: memref<2x16x96xi32, #tpu.memory_space<vmem>>, %arg9: memref<96x128xf32, #tpu.memory_space<vmem>>, %arg10: memref<96x128xf32, #tpu.memory_space<vmem>>, %arg11: memref<96x128xf32, #tpu.memory_space<vmem>>, %arg12: memref<10008x128xf32, #tpu.memory_space<vmem_shared>>, %arg13: memref<!tpu.dma_semaphore, #tpu.memory_space<semaphore_mem>>, %arg14: memref<!tpu.dma_semaphore, #tpu.memory_space<semaphore_mem>>, %arg15: memref<!tpu.dma_semaphore, #tpu.memory_space<semaphore_mem>>, %arg16: memref<!tpu.dma_semaphore, #tpu.memory_space<semaphore_mem>>, %arg17: memref<!tpu.dma_semaphore, #tpu.memory_space<semaphore_mem>>, %arg18: memref<!tpu.dma_semaphore, #tpu.memory_space<semaphore_mem>>, %arg19: memref<!tpu.dma_semaphore, #tpu.memory_space<semaphore_mem>>, %arg20: memref<!tpu.dma_semaphore, #tpu.memory_space<semaphore_mem>>) attributes {dimension_semantics = [#tpu.dimension_semantics<core_parallel>, #tpu.dimension_semantics<subcore_parallel>], iteration_bounds = array<i64: 2, 16>, scalar_prefetch = 0 : i64, scratch_operands = 14 : i64, tpu.core_type = #tpu.core_type<sc_vector_subcore>, window_params = [{transform_indices = #map}, {transform_indices = #map1}, {transform_indices = #map1}, {transform_indices = #map}, {transform_indices = #map1}]} {
    %mul3A = arith.constant 2 : i32
    %mul3A_0 = arith.muli %arg1, %mul3A : i32
    %add3A = arith.addi %mul3A_0, %arg0 : i32
    %mul3A_1 = arith.constant 624 : i32
    %mul3A_2 = arith.muli %arg1, %mul3A_1 : i32
    %dma_start3A = arith.constant 0 : i32
    %dma_start3A_3 = arith.constant 0 : i32
    %dma_start3A_4 = arith.constant 0 : i32
    %dma_start3A_5 = tpu.memref_slice %arg7[%dma_start3A, %dma_start3A_3, %dma_start3A_4] : memref<2x16x96xi32, #tpu.memory_space<vmem>> -> memref<1x16x96xi32, #tpu.memory_space<vmem>>
    %dma_start3A_6 = tpu.memref_squeeze %dma_start3A_5 : memref<1x16x96xi32, #tpu.memory_space<vmem>> -> memref<16x96xi32, #tpu.memory_space<vmem>>
    %dma_start3A_7 = arith.constant 0 : i32
    %dma_start3A_8 = arith.constant 0 : i32
    %dma_start3A_9 = tpu.memref_slice %arg3[%add3A, %dma_start3A_7, %dma_start3A_8] : memref<32x112x96xi32, #tpu.memory_space<hbm>> -> memref<1x16x96xi32, #tpu.memory_space<hbm>>
    %dma_start3A_10 = tpu.memref_squeeze %dma_start3A_9 : memref<1x16x96xi32, #tpu.memory_space<hbm>> -> memref<16x96xi32, #tpu.memory_space<hbm>>
    %dma_start3A_11 = arith.constant 0 : i32
    %dma_start3A_12 = arith.constant 0 : i32
    %dma_start3A_13 = tpu.memref_slice %arg7[%dma_start3A, %dma_start3A_11, %dma_start3A_12] : memref<2x16x96xi32, #tpu.memory_space<vmem>> -> memref<1x16x96xi32, #tpu.memory_space<vmem>>
    %dma_start3A_14 = tpu.memref_squeeze %dma_start3A_13 : memref<1x16x96xi32, #tpu.memory_space<vmem>> -> memref<16x96xi32, #tpu.memory_space<vmem>>
    %dma_start3A_15 = arith.constant 0 : i32
    %dma_start3A_16 = arith.constant 0 : i32
    %dma_start3A_17 = tpu.memref_slice %arg3[%add3A, %dma_start3A_15, %dma_start3A_16] : memref<32x112x96xi32, #tpu.memory_space<hbm>> -> memref<1x16x96xi32, #tpu.memory_space<hbm>>
    %dma_start3A_18 = tpu.memref_squeeze %dma_start3A_17 : memref<1x16x96xi32, #tpu.memory_space<hbm>> -> memref<16x96xi32, #tpu.memory_space<hbm>>
    tpu.enqueue_dma source(%dma_start3A_18 : memref<16x96xi32, #tpu.memory_space<hbm>>) target(%dma_start3A_14 : memref<16x96xi32, #tpu.memory_space<vmem>>) target_semaphore(%arg19 : memref<!tpu.dma_semaphore, #tpu.memory_space<semaphore_mem>>)
    %dma_start3A_19 = arith.constant 0 : i32
    %dma_start3A_20 = arith.constant 0 : i32
    %dma_start3A_21 = arith.constant 0 : i32
    %dma_start3A_22 = tpu.memref_slice %arg8[%dma_start3A_19, %dma_start3A_20, %dma_start3A_21] : memref<2x16x96xi32, #tpu.memory_space<vmem>> -> memref<1x16x96xi32, #tpu.memory_space<vmem>>
    %dma_start3A_23 = tpu.memref_squeeze %dma_start3A_22 : memref<1x16x96xi32, #tpu.memory_space<vmem>> -> memref<16x96xi32, #tpu.memory_space<vmem>>
    %dma_start3A_24 = arith.constant 0 : i32
    %dma_start3A_25 = arith.constant 0 : i32
    %dma_start3A_26 = tpu.memref_slice %arg4[%add3A, %dma_start3A_24, %dma_start3A_25] : memref<32x112x96xi32, #tpu.memory_space<hbm>> -> memref<1x16x96xi32, #tpu.memory_space<hbm>>
    %dma_start3A_27 = tpu.memref_squeeze %dma_start3A_26 : memref<1x16x96xi32, #tpu.memory_space<hbm>> -> memref<16x96xi32, #tpu.memory_space<hbm>>
    %dma_start3A_28 = arith.constant 0 : i32
    %dma_start3A_29 = arith.constant 0 : i32
    %dma_start3A_30 = tpu.memref_slice %arg8[%dma_start3A_19, %dma_start3A_28, %dma_start3A_29] : memref<2x16x96xi32, #tpu.memory_space<vmem>> -> memref<1x16x96xi32, #tpu.memory_space<vmem>>
    %dma_start3A_31 = tpu.memref_squeeze %dma_start3A_30 : memref<1x16x96xi32, #tpu.memory_space<vmem>> -> memref<16x96xi32, #tpu.memory_space<vmem>>
    %dma_start3A_32 = arith.constant 0 : i32
    %dma_start3A_33 = arith.constant 0 : i32
    %dma_start3A_34 = tpu.memref_slice %arg4[%add3A, %dma_start3A_32, %dma_start3A_33] : memref<32x112x96xi32, #tpu.memory_space<hbm>> -> memref<1x16x96xi32, #tpu.memory_space<hbm>>
    %dma_start3A_35 = tpu.memref_squeeze %dma_start3A_34 : memref<1x16x96xi32, #tpu.memory_space<hbm>> -> memref<16x96xi32, #tpu.memory_space<hbm>>
    tpu.enqueue_dma source(%dma_start3A_35 : memref<16x96xi32, #tpu.memory_space<hbm>>) target(%dma_start3A_31 : memref<16x96xi32, #tpu.memory_space<vmem>>) target_semaphore(%arg20 : memref<!tpu.dma_semaphore, #tpu.memory_space<semaphore_mem>>)
    "tpu.region"() ({
      %run_scoped3A = tpu.sem_alloc : memref<!tpu.dma_semaphore, #tpu.memory_space<semaphore_mem>>
      %dma_start3A_106 = arith.constant 0 : i32
      %dma_start3A_107 = tpu.memref_slice %arg12[%mul3A_2, %dma_start3A_106] : memref<10008x128xf32, #tpu.memory_space<vmem_shared>> -> memref<624x128xf32, #tpu.memory_space<vmem_shared>>
      %dma_start3A_108 = arith.constant 0 : i32
      %dma_start3A_109 = tpu.memref_slice %arg5[%mul3A_2, %dma_start3A_108] : memref<10000x128xf32, #tpu.memory_space<hbm>> -> memref<624x128xf32, #tpu.memory_space<hbm>>
      tpu.enqueue_dma source(%dma_start3A_109 : memref<624x128xf32, #tpu.memory_space<hbm>>) target(%dma_start3A_107 : memref<624x128xf32, #tpu.memory_space<vmem_shared>>) target_semaphore(%run_scoped3A : memref<!tpu.dma_semaphore, #tpu.memory_space<semaphore_mem>>)
      %dma_wait3A_110 = arith.constant 0 : i32
      %dma_wait3A_111 = tpu.memref_slice %arg12[%mul3A_2, %dma_wait3A_110] : memref<10008x128xf32, #tpu.memory_space<vmem_shared>> -> memref<624x128xf32, #tpu.memory_space<vmem_shared>>
      %dma_wait3A_112 = arith.constant 0 : i32
      %dma_wait3A_113 = tpu.memref_slice %arg5[%mul3A_2, %dma_wait3A_112] : memref<10000x128xf32, #tpu.memory_space<hbm>> -> memref<624x128xf32, #tpu.memory_space<hbm>>
      tpu.wait_dma2 semaphore(%run_scoped3A : memref<!tpu.dma_semaphore, #tpu.memory_space<semaphore_mem>>) src(%dma_wait3A_113 : memref<624x128xf32, #tpu.memory_space<hbm>>) dst(%dma_wait3A_111 : memref<624x128xf32, #tpu.memory_space<vmem_shared>>)
      tpu.yield
    }) : () -> ()
    %eq3A = arith.constant 15 : i32
    %eq3A_36 = arith.cmpi eq, %arg1, %eq3A : i32
    %convert_element_type3A = arith.extui %eq3A_36 : i1 to i32
    %cond3A = arith.constant 0 : i32
    %cond3A_37 = arith.cmpi ne, %convert_element_type3A, %cond3A : i32
    scf.if %cond3A_37 {
      "tpu.region"() ({
        %run_scoped3A = tpu.sem_alloc : memref<!tpu.dma_semaphore, #tpu.memory_space<semaphore_mem>>
        %dma_start3A_106 = arith.constant 9984 : i32
        %dma_start3A_107 = arith.constant 0 : i32
        %dma_start3A_108 = tpu.memref_slice %arg12[%dma_start3A_106, %dma_start3A_107] : memref<10008x128xf32, #tpu.memory_space<vmem_shared>> -> memref<16x128xf32, #tpu.memory_space<vmem_shared>>
        %dma_start3A_109 = arith.constant 9984 : i32
        %dma_start3A_110 = arith.constant 0 : i32
        %dma_start3A_111 = tpu.memref_slice %arg5[%dma_start3A_109, %dma_start3A_110] : memref<10000x128xf32, #tpu.memory_space<hbm>> -> memref<16x128xf32, #tpu.memory_space<hbm>>
        tpu.enqueue_dma source(%dma_start3A_111 : memref<16x128xf32, #tpu.memory_space<hbm>>) target(%dma_start3A_108 : memref<16x128xf32, #tpu.memory_space<vmem_shared>>) target_semaphore(%run_scoped3A : memref<!tpu.dma_semaphore, #tpu.memory_space<semaphore_mem>>)
        %dma_wait3A_112 = arith.constant 9984 : i32
        %dma_wait3A_113 = arith.constant 0 : i32
        %dma_wait3A_114 = tpu.memref_slice %arg12[%dma_wait3A_112, %dma_wait3A_113] : memref<10008x128xf32, #tpu.memory_space<vmem_shared>> -> memref<16x128xf32, #tpu.memory_space<vmem_shared>>
        %dma_wait3A_115 = arith.constant 9984 : i32
        %dma_wait3A_116 = arith.constant 0 : i32
        %dma_wait3A_117 = tpu.memref_slice %arg5[%dma_wait3A_115, %dma_wait3A_116] : memref<10000x128xf32, #tpu.memory_space<hbm>> -> memref<16x128xf32, #tpu.memory_space<hbm>>
        tpu.wait_dma2 semaphore(%run_scoped3A : memref<!tpu.dma_semaphore, #tpu.memory_space<semaphore_mem>>) src(%dma_wait3A_117 : memref<16x128xf32, #tpu.memory_space<hbm>>) dst(%dma_wait3A_114 : memref<16x128xf32, #tpu.memory_space<vmem_shared>>)
        tpu.yield
      }) : () -> ()
    } else {
    }
    %barrier3A = arith.constant 0 : index
    tpu.barrier barrier_id(%barrier3A)
    %dma_wait3A = arith.constant 0 : i32
    %dma_wait3A_38 = arith.constant 0 : i32
    %dma_wait3A_39 = arith.constant 0 : i32
    %dma_wait3A_40 = tpu.memref_slice %arg7[%dma_wait3A, %dma_wait3A_38, %dma_wait3A_39] : memref<2x16x96xi32, #tpu.memory_space<vmem>> -> memref<1x16x96xi32, #tpu.memory_space<vmem>>
    %dma_wait3A_41 = tpu.memref_squeeze %dma_wait3A_40 : memref<1x16x96xi32, #tpu.memory_space<vmem>> -> memref<16x96xi32, #tpu.memory_space<vmem>>
    %dma_wait3A_42 = arith.constant 0 : i32
    %dma_wait3A_43 = arith.constant 0 : i32
    %dma_wait3A_44 = tpu.memref_slice %arg3[%add3A, %dma_wait3A_42, %dma_wait3A_43] : memref<32x112x96xi32, #tpu.memory_space<hbm>> -> memref<1x16x96xi32, #tpu.memory_space<hbm>>
    %dma_wait3A_45 = tpu.memref_squeeze %dma_wait3A_44 : memref<1x16x96xi32, #tpu.memory_space<hbm>> -> memref<16x96xi32, #tpu.memory_space<hbm>>
    %dma_wait3A_46 = arith.constant 0 : i32
    %dma_wait3A_47 = arith.constant 0 : i32
    %dma_wait3A_48 = tpu.memref_slice %arg7[%dma_wait3A, %dma_wait3A_46, %dma_wait3A_47] : memref<2x16x96xi32, #tpu.memory_space<vmem>> -> memref<1x16x96xi32, #tpu.memory_space<vmem>>
    %dma_wait3A_49 = tpu.memref_squeeze %dma_wait3A_48 : memref<1x16x96xi32, #tpu.memory_space<vmem>> -> memref<16x96xi32, #tpu.memory_space<vmem>>
    %dma_wait3A_50 = arith.constant 0 : i32
    %dma_wait3A_51 = arith.constant 0 : i32
    %dma_wait3A_52 = tpu.memref_slice %arg3[%add3A, %dma_wait3A_50, %dma_wait3A_51] : memref<32x112x96xi32, #tpu.memory_space<hbm>> -> memref<1x16x96xi32, #tpu.memory_space<hbm>>
    %dma_wait3A_53 = tpu.memref_squeeze %dma_wait3A_52 : memref<1x16x96xi32, #tpu.memory_space<hbm>> -> memref<16x96xi32, #tpu.memory_space<hbm>>
    tpu.wait_dma2 semaphore(%arg19 : memref<!tpu.dma_semaphore, #tpu.memory_space<semaphore_mem>>) src(%dma_wait3A_53 : memref<16x96xi32, #tpu.memory_space<hbm>>) dst(%dma_wait3A_49 : memref<16x96xi32, #tpu.memory_space<vmem>>)
    %dma_wait3A_54 = arith.constant 0 : i32
    %dma_wait3A_55 = arith.constant 0 : i32
    %dma_wait3A_56 = arith.constant 0 : i32
    %dma_wait3A_57 = tpu.memref_slice %arg8[%dma_wait3A_54, %dma_wait3A_55, %dma_wait3A_56] : memref<2x16x96xi32, #tpu.memory_space<vmem>> -> memref<1x16x96xi32, #tpu.memory_space<vmem>>
    %dma_wait3A_58 = tpu.memref_squeeze %dma_wait3A_57 : memref<1x16x96xi32, #tpu.memory_space<vmem>> -> memref<16x96xi32, #tpu.memory_space<vmem>>
    %dma_wait3A_59 = arith.constant 0 : i32
    %dma_wait3A_60 = arith.constant 0 : i32
    %dma_wait3A_61 = tpu.memref_slice %arg4[%add3A, %dma_wait3A_59, %dma_wait3A_60] : memref<32x112x96xi32, #tpu.memory_space<hbm>> -> memref<1x16x96xi32, #tpu.memory_space<hbm>>
    %dma_wait3A_62 = tpu.memref_squeeze %dma_wait3A_61 : memref<1x16x96xi32, #tpu.memory_space<hbm>> -> memref<16x96xi32, #tpu.memory_space<hbm>>
    %dma_wait3A_63 = arith.constant 0 : i32
    %dma_wait3A_64 = arith.constant 0 : i32
    %dma_wait3A_65 = tpu.memref_slice %arg8[%dma_wait3A_54, %dma_wait3A_63, %dma_wait3A_64] : memref<2x16x96xi32, #tpu.memory_space<vmem>> -> memref<1x16x96xi32, #tpu.memory_space<vmem>>
    %dma_wait3A_66 = tpu.memref_squeeze %dma_wait3A_65 : memref<1x16x96xi32, #tpu.memory_space<vmem>> -> memref<16x96xi32, #tpu.memory_space<vmem>>
    %dma_wait3A_67 = arith.constant 0 : i32
    %dma_wait3A_68 = arith.constant 0 : i32
    %dma_wait3A_69 = tpu.memref_slice %arg4[%add3A, %dma_wait3A_67, %dma_wait3A_68] : memref<32x112x96xi32, #tpu.memory_space<hbm>> -> memref<1x16x96xi32, #tpu.memory_space<hbm>>
    %dma_wait3A_70 = tpu.memref_squeeze %dma_wait3A_69 : memref<1x16x96xi32, #tpu.memory_space<hbm>> -> memref<16x96xi32, #tpu.memory_space<hbm>>
    tpu.wait_dma2 semaphore(%arg20 : memref<!tpu.dma_semaphore, #tpu.memory_space<semaphore_mem>>) src(%dma_wait3A_70 : memref<16x96xi32, #tpu.memory_space<hbm>>) dst(%dma_wait3A_66 : memref<16x96xi32, #tpu.memory_space<vmem>>)
    %dma_start3A_71 = arith.constant 0 : i32
    %dma_start3A_72 = arith.constant 0 : i32
    %dma_start3A_73 = arith.constant 0 : i32
    %dma_start3A_74 = tpu.memref_slice %arg7[%dma_start3A_71, %dma_start3A_72, %dma_start3A_73] : memref<2x16x96xi32, #tpu.memory_space<vmem>> -> memref<1x1x96xi32, #tpu.memory_space<vmem>>
    %dma_start3A_75 = tpu.memref_squeeze %dma_start3A_74 : memref<1x1x96xi32, #tpu.memory_space<vmem>> -> memref<96xi32, #tpu.memory_space<vmem>>
    %dma_start3A_76 = arith.constant 0 : i32
    %dma_start3A_77 = arith.constant 0 : i32
    %dma_start3A_78 = tpu.memref_slice %arg2[%dma_start3A_76, %dma_start3A_77] : memref<10000x128xf32, #tpu.memory_space<hbm>> -> memref<10000x128xf32, #tpu.memory_space<hbm>>
    tpu.enqueue_indirect_dma source(%dma_start3A_78 : memref<10000x128xf32, #tpu.memory_space<hbm>>) target(%arg9 : memref<96x128xf32, #tpu.memory_space<vmem>>) offsets(%dma_start3A_75 : memref<96xi32, #tpu.memory_space<vmem>>) semaphore(%arg13 : memref<!tpu.dma_semaphore, #tpu.memory_space<semaphore_mem>>)
    %dma_start3A_79 = arith.constant 0 : i32
    %dma_start3A_80 = arith.constant 1 : i32
    %dma_start3A_81 = arith.constant 0 : i32
    %dma_start3A_82 = tpu.memref_slice %arg7[%dma_start3A_79, %dma_start3A_80, %dma_start3A_81] : memref<2x16x96xi32, #tpu.memory_space<vmem>> -> memref<1x1x96xi32, #tpu.memory_space<vmem>>
    %dma_start3A_83 = tpu.memref_squeeze %dma_start3A_82 : memref<1x1x96xi32, #tpu.memory_space<vmem>> -> memref<96xi32, #tpu.memory_space<vmem>>
    %dma_start3A_84 = arith.constant 0 : i32
    %dma_start3A_85 = arith.constant 0 : i32
    %dma_start3A_86 = tpu.memref_slice %arg2[%dma_start3A_84, %dma_start3A_85] : memref<10000x128xf32, #tpu.memory_space<hbm>> -> memref<10000x128xf32, #tpu.memory_space<hbm>>
    tpu.enqueue_indirect_dma source(%dma_start3A_86 : memref<10000x128xf32, #tpu.memory_space<hbm>>) target(%arg10 : memref<96x128xf32, #tpu.memory_space<vmem>>) offsets(%dma_start3A_83 : memref<96xi32, #tpu.memory_space<vmem>>) semaphore(%arg14 : memref<!tpu.dma_semaphore, #tpu.memory_space<semaphore_mem>>)
    %scan3A = arith.constant 0 : i32
    %scan3A_87 = arith.constant 0 : i32
    %scan3A_88 = arith.constant 35 : i32
    %scan3A_89 = arith.addi %scan3A_87, %scan3A_88 : i32
    %scan3A_90 = arith.constant 1 : i32
    scf.for %scan3A_106 = %scan3A_87 to %scan3A_89 step %scan3A_90  : i32 {
      %mul3A_107 = arith.constant 3 : i32
      %mul3A_108 = arith.muli %scan3A_106, %mul3A_107 : i32
      %add3A_109 = arith.constant 0 : i32
      %add3A_110 = arith.addi %mul3A_108, %add3A_109 : i32
      %jit3A = arith.constant 16 : i32
      %div3A = arith.divsi %add3A_110, %jit3A : i32
      %sign3A = arith.constant 0 : i32
      %sign3A_111 = arith.cmpi sgt, %add3A_110, %sign3A : i32
      %sign3A_112 = arith.extui %sign3A_111 : i1 to i32
      %sign3A_113 = arith.constant 0 : i32
      %sign3A_114 = arith.cmpi slt, %add3A_110, %sign3A_113 : i32
      %sign3A_115 = arith.extui %sign3A_114 : i1 to i32
      %sign3A_116 = arith.subi %sign3A_112, %sign3A_115 : i32
      %sign3A_117 = arith.constant 0 : i32
      %sign3A_118 = arith.cmpi sgt, %jit3A, %sign3A_117 : i32
      %sign3A_119 = arith.extui %sign3A_118 : i1 to i32
      %sign3A_120 = arith.constant 0 : i32
      %sign3A_121 = arith.cmpi slt, %jit3A, %sign3A_120 : i32
      %sign3A_122 = arith.extui %sign3A_121 : i1 to i32
      %sign3A_123 = arith.subi %sign3A_119, %sign3A_122 : i32
      %ne3A = arith.cmpi ne, %sign3A_116, %sign3A_123 : i32
      %rem3A = arith.remsi %add3A_110, %jit3A : i32
      %ne3A_124 = arith.constant 0 : i32
      %ne3A_125 = arith.cmpi ne, %rem3A, %ne3A_124 : i32
      %and3A = arith.andi %ne3A, %ne3A_125 : i1
      %sub3A = arith.constant 1 : i32
      %sub3A_126 = arith.subi %div3A, %sub3A : i32
      %select_n3A = arith.select %and3A, %sub3A_126, %div3A : i32
      %rem3A_127 = arith.constant 2 : i32
      %rem3A_128 = arith.remsi %select_n3A, %rem3A_127 : i32
      %rem3A_129 = arith.constant 16 : i32
      %rem3A_130 = arith.remsi %add3A_110, %rem3A_129 : i32
      %dma_wait3A_131 = arith.constant 0 : i32
      %dma_wait3A_132 = tpu.memref_slice %arg7[%rem3A_128, %rem3A_130, %dma_wait3A_131] : memref<2x16x96xi32, #tpu.memory_space<vmem>> -> memref<1x1x96xi32, #tpu.memory_space<vmem>>
      %dma_wait3A_133 = tpu.memref_squeeze %dma_wait3A_132 : memref<1x1x96xi32, #tpu.memory_space<vmem>> -> memref<96xi32, #tpu.memory_space<vmem>>
      %dma_wait3A_134 = arith.constant 0 : i32
      %dma_wait3A_135 = arith.constant 0 : i32
      %dma_wait3A_136 = tpu.memref_slice %arg2[%dma_wait3A_134, %dma_wait3A_135] : memref<10000x128xf32, #tpu.memory_space<hbm>> -> memref<10000x128xf32, #tpu.memory_space<hbm>>
      tpu.wait_indirect_dma semaphore(%arg13 : memref<!tpu.dma_semaphore, #tpu.memory_space<semaphore_mem>>) src(%dma_wait3A_136 : memref<10000x128xf32, #tpu.memory_space<hbm>>) dst(%arg9 : memref<96x128xf32, #tpu.memory_space<vmem>>)
      %dma_start3A_137 = arith.constant 0 : i32
      %dma_start3A_138 = tpu.memref_slice %arg8[%rem3A_128, %rem3A_130, %dma_start3A_137] : memref<2x16x96xi32, #tpu.memory_space<vmem>> -> memref<1x1x96xi32, #tpu.memory_space<vmem>>
      %dma_start3A_139 = tpu.memref_squeeze %dma_start3A_138 : memref<1x1x96xi32, #tpu.memory_space<vmem>> -> memref<96xi32, #tpu.memory_space<vmem>>
      %dma_start3A_140 = arith.constant 0 : i32
      %dma_start3A_141 = arith.constant 0 : i32
      %dma_start3A_142 = tpu.memref_slice %arg12[%dma_start3A_140, %dma_start3A_141] : memref<10008x128xf32, #tpu.memory_space<vmem_shared>> -> memref<10008x128xf32, #tpu.memory_space<vmem_shared>>
      tpu.enqueue_indirect_dma source(%arg9 : memref<96x128xf32, #tpu.memory_space<vmem>>) target(%dma_start3A_142 : memref<10008x128xf32, #tpu.memory_space<vmem_shared>>) offsets(%dma_start3A_139 : memref<96xi32, #tpu.memory_space<vmem>>) semaphore(%arg16 : memref<!tpu.dma_semaphore, #tpu.memory_space<semaphore_mem>>) {add = true}
      %sub3A_143 = arith.constant 1 : i32
      %sub3A_144 = arith.subi %add3A_110, %sub3A_143 : i32
      %ge3A = arith.constant 0 : i32
      %ge3A_145 = arith.cmpi sge, %sub3A_144, %ge3A : i32
      %convert_element_type3A_146 = arith.extui %ge3A_145 : i1 to i32
      %cond3A_147 = arith.constant 0 : i32
      %cond3A_148 = arith.cmpi ne, %convert_element_type3A_146, %cond3A_147 : i32
      scf.if %cond3A_148 {
        %jit3A_303 = arith.constant 16 : i32
        %div3A_304 = arith.divsi %sub3A_144, %jit3A_303 : i32
        %sign3A_305 = arith.constant 0 : i32
        %sign3A_306 = arith.cmpi sgt, %sub3A_144, %sign3A_305 : i32
        %sign3A_307 = arith.extui %sign3A_306 : i1 to i32
        %sign3A_308 = arith.constant 0 : i32
        %sign3A_309 = arith.cmpi slt, %sub3A_144, %sign3A_308 : i32
        %sign3A_310 = arith.extui %sign3A_309 : i1 to i32
        %sign3A_311 = arith.subi %sign3A_307, %sign3A_310 : i32
        %sign3A_312 = arith.constant 0 : i32
        %sign3A_313 = arith.cmpi sgt, %jit3A_303, %sign3A_312 : i32
        %sign3A_314 = arith.extui %sign3A_313 : i1 to i32
        %sign3A_315 = arith.constant 0 : i32
        %sign3A_316 = arith.cmpi slt, %jit3A_303, %sign3A_315 : i32
        %sign3A_317 = arith.extui %sign3A_316 : i1 to i32
        %sign3A_318 = arith.subi %sign3A_314, %sign3A_317 : i32
        %ne3A_319 = arith.cmpi ne, %sign3A_311, %sign3A_318 : i32
        %rem3A_320 = arith.remsi %sub3A_144, %jit3A_303 : i32
        %ne3A_321 = arith.constant 0 : i32
        %ne3A_322 = arith.cmpi ne, %rem3A_320, %ne3A_321 : i32
        %and3A_323 = arith.andi %ne3A_319, %ne3A_322 : i1
        %sub3A_324 = arith.constant 1 : i32
        %sub3A_325 = arith.subi %div3A_304, %sub3A_324 : i32
        %select_n3A_326 = arith.select %and3A_323, %sub3A_325, %div3A_304 : i32
        %rem3A_327 = arith.constant 2 : i32
        %rem3A_328 = arith.remsi %select_n3A_326, %rem3A_327 : i32
        %rem3A_329 = arith.constant 16 : i32
        %rem3A_330 = arith.remsi %sub3A_144, %rem3A_329 : i32
        %dma_wait3A_331 = arith.constant 0 : i32
        %dma_wait3A_332 = tpu.memref_slice %arg8[%rem3A_328, %rem3A_330, %dma_wait3A_331] : memref<2x16x96xi32, #tpu.memory_space<vmem>> -> memref<1x1x96xi32, #tpu.memory_space<vmem>>
        %dma_wait3A_333 = tpu.memref_squeeze %dma_wait3A_332 : memref<1x1x96xi32, #tpu.memory_space<vmem>> -> memref<96xi32, #tpu.memory_space<vmem>>
        %dma_wait3A_334 = arith.constant 0 : i32
        %dma_wait3A_335 = arith.constant 0 : i32
        %dma_wait3A_336 = tpu.memref_slice %arg12[%dma_wait3A_334, %dma_wait3A_335] : memref<10008x128xf32, #tpu.memory_space<vmem_shared>> -> memref<10008x128xf32, #tpu.memory_space<vmem_shared>>
        tpu.wait_indirect_dma semaphore(%arg18 : memref<!tpu.dma_semaphore, #tpu.memory_space<semaphore_mem>>) src(%arg11 : memref<96x128xf32, #tpu.memory_space<vmem>>) dst(%dma_wait3A_336 : memref<10008x128xf32, #tpu.memory_space<vmem_shared>>)
      } else {
      }
      %eq3A_149 = arith.constant 0 : i32
      %eq3A_150 = arith.cmpi eq, %rem3A_130, %eq3A_149 : i32
      %add3A_151 = arith.constant 1 : i32
      %add3A_152 = arith.addi %select_n3A, %add3A_151 : i32
      %lt3A = arith.constant 7 : i32
      %lt3A_153 = arith.cmpi slt, %add3A_152, %lt3A : i32
      %and3A_154 = arith.andi %eq3A_150, %lt3A_153 : i1
      %convert_element_type3A_155 = arith.extui %and3A_154 : i1 to i32
      %cond3A_156 = arith.constant 0 : i32
      %cond3A_157 = arith.cmpi ne, %convert_element_type3A_155, %cond3A_156 : i32
      scf.if %cond3A_157 {
        %add3A_303 = arith.constant 1 : i32
        %add3A_304 = arith.addi %select_n3A, %add3A_303 : i32
        %rem3A_305 = arith.constant 2 : i32
        %rem3A_306 = arith.remsi %add3A_304, %rem3A_305 : i32
        %mul3A_307 = arith.constant 16 : i32
        %mul3A_308 = arith.muli %add3A_304, %mul3A_307 : i32
        %dma_start3A_309 = arith.constant 0 : i32
        %dma_start3A_310 = arith.constant 0 : i32
        %dma_start3A_311 = tpu.memref_slice %arg7[%rem3A_306, %dma_start3A_309, %dma_start3A_310] : memref<2x16x96xi32, #tpu.memory_space<vmem>> -> memref<1x16x96xi32, #tpu.memory_space<vmem>>
        %dma_start3A_312 = tpu.memref_squeeze %dma_start3A_311 : memref<1x16x96xi32, #tpu.memory_space<vmem>> -> memref<16x96xi32, #tpu.memory_space<vmem>>
        %dma_start3A_313 = arith.constant 0 : i32
        %dma_start3A_314 = tpu.memref_slice %arg3[%add3A, %mul3A_308, %dma_start3A_313] : memref<32x112x96xi32, #tpu.memory_space<hbm>> -> memref<1x16x96xi32, #tpu.memory_space<hbm>>
        %dma_start3A_315 = tpu.memref_squeeze %dma_start3A_314 : memref<1x16x96xi32, #tpu.memory_space<hbm>> -> memref<16x96xi32, #tpu.memory_space<hbm>>
        %dma_start3A_316 = arith.constant 0 : i32
        %dma_start3A_317 = arith.constant 0 : i32
        %dma_start3A_318 = tpu.memref_slice %arg7[%rem3A_306, %dma_start3A_316, %dma_start3A_317] : memref<2x16x96xi32, #tpu.memory_space<vmem>> -> memref<1x16x96xi32, #tpu.memory_space<vmem>>
        %dma_start3A_319 = tpu.memref_squeeze %dma_start3A_318 : memref<1x16x96xi32, #tpu.memory_space<vmem>> -> memref<16x96xi32, #tpu.memory_space<vmem>>
        %dma_start3A_320 = arith.constant 0 : i32
        %dma_start3A_321 = tpu.memref_slice %arg3[%add3A, %mul3A_308, %dma_start3A_320] : memref<32x112x96xi32, #tpu.memory_space<hbm>> -> memref<1x16x96xi32, #tpu.memory_space<hbm>>
        %dma_start3A_322 = tpu.memref_squeeze %dma_start3A_321 : memref<1x16x96xi32, #tpu.memory_space<hbm>> -> memref<16x96xi32, #tpu.memory_space<hbm>>
        tpu.enqueue_dma source(%dma_start3A_322 : memref<16x96xi32, #tpu.memory_space<hbm>>) target(%dma_start3A_319 : memref<16x96xi32, #tpu.memory_space<vmem>>) target_semaphore(%arg19 : memref<!tpu.dma_semaphore, #tpu.memory_space<semaphore_mem>>)
        %mul3A_323 = arith.constant 16 : i32
        %mul3A_324 = arith.muli %add3A_304, %mul3A_323 : i32
        %dma_start3A_325 = arith.constant 0 : i32
        %dma_start3A_326 = arith.constant 0 : i32
        %dma_start3A_327 = tpu.memref_slice %arg8[%rem3A_306, %dma_start3A_325, %dma_start3A_326] : memref<2x16x96xi32, #tpu.memory_space<vmem>> -> memref<1x16x96xi32, #tpu.memory_space<vmem>>
        %dma_start3A_328 = tpu.memref_squeeze %dma_start3A_327 : memref<1x16x96xi32, #tpu.memory_space<vmem>> -> memref<16x96xi32, #tpu.memory_space<vmem>>
        %dma_start3A_329 = arith.constant 0 : i32
        %dma_start3A_330 = tpu.memref_slice %arg4[%add3A, %mul3A_324, %dma_start3A_329] : memref<32x112x96xi32, #tpu.memory_space<hbm>> -> memref<1x16x96xi32, #tpu.memory_space<hbm>>
        %dma_start3A_331 = tpu.memref_squeeze %dma_start3A_330 : memref<1x16x96xi32, #tpu.memory_space<hbm>> -> memref<16x96xi32, #tpu.memory_space<hbm>>
        %dma_start3A_332 = arith.constant 0 : i32
        %dma_start3A_333 = arith.constant 0 : i32
        %dma_start3A_334 = tpu.memref_slice %arg8[%rem3A_306, %dma_start3A_332, %dma_start3A_333] : memref<2x16x96xi32, #tpu.memory_space<vmem>> -> memref<1x16x96xi32, #tpu.memory_space<vmem>>
        %dma_start3A_335 = tpu.memref_squeeze %dma_start3A_334 : memref<1x16x96xi32, #tpu.memory_space<vmem>> -> memref<16x96xi32, #tpu.memory_space<vmem>>
        %dma_start3A_336 = arith.constant 0 : i32
        %dma_start3A_337 = tpu.memref_slice %arg4[%add3A, %mul3A_324, %dma_start3A_336] : memref<32x112x96xi32, #tpu.memory_space<hbm>> -> memref<1x16x96xi32, #tpu.memory_space<hbm>>
        %dma_start3A_338 = tpu.memref_squeeze %dma_start3A_337 : memref<1x16x96xi32, #tpu.memory_space<hbm>> -> memref<16x96xi32, #tpu.memory_space<hbm>>
        tpu.enqueue_dma source(%dma_start3A_338 : memref<16x96xi32, #tpu.memory_space<hbm>>) target(%dma_start3A_335 : memref<16x96xi32, #tpu.memory_space<vmem>>) target_semaphore(%arg20 : memref<!tpu.dma_semaphore, #tpu.memory_space<semaphore_mem>>)
      } else {
      }
      %add3A_158 = arith.constant 3 : i32
      %add3A_159 = arith.addi %add3A_110, %add3A_158 : i32
      %sub3A_160 = arith.constant 1 : i32
      %sub3A_161 = arith.subi %add3A_159, %sub3A_160 : i32
      %lt3A_162 = arith.constant 105 : i32
      %lt3A_163 = arith.cmpi slt, %sub3A_161, %lt3A_162 : i32
      %convert_element_type3A_164 = arith.extui %lt3A_163 : i1 to i32
      %cond3A_165 = arith.constant 0 : i32
      %cond3A_166 = arith.cmpi ne, %convert_element_type3A_164, %cond3A_165 : i32
      scf.if %cond3A_166 {
        %jit3A_303 = arith.constant 16 : i32
        %div3A_304 = arith.divsi %sub3A_161, %jit3A_303 : i32
        %sign3A_305 = arith.constant 0 : i32
        %sign3A_306 = arith.cmpi sgt, %sub3A_161, %sign3A_305 : i32
        %sign3A_307 = arith.extui %sign3A_306 : i1 to i32
        %sign3A_308 = arith.constant 0 : i32
        %sign3A_309 = arith.cmpi slt, %sub3A_161, %sign3A_308 : i32
        %sign3A_310 = arith.extui %sign3A_309 : i1 to i32
        %sign3A_311 = arith.subi %sign3A_307, %sign3A_310 : i32
        %sign3A_312 = arith.constant 0 : i32
        %sign3A_313 = arith.cmpi sgt, %jit3A_303, %sign3A_312 : i32
        %sign3A_314 = arith.extui %sign3A_313 : i1 to i32
        %sign3A_315 = arith.constant 0 : i32
        %sign3A_316 = arith.cmpi slt, %jit3A_303, %sign3A_315 : i32
        %sign3A_317 = arith.extui %sign3A_316 : i1 to i32
        %sign3A_318 = arith.subi %sign3A_314, %sign3A_317 : i32
        %ne3A_319 = arith.cmpi ne, %sign3A_311, %sign3A_318 : i32
        %rem3A_320 = arith.remsi %sub3A_161, %jit3A_303 : i32
        %ne3A_321 = arith.constant 0 : i32
        %ne3A_322 = arith.cmpi ne, %rem3A_320, %ne3A_321 : i32
        %and3A_323 = arith.andi %ne3A_319, %ne3A_322 : i1
        %sub3A_324 = arith.constant 1 : i32
        %sub3A_325 = arith.subi %div3A_304, %sub3A_324 : i32
        %select_n3A_326 = arith.select %and3A_323, %sub3A_325, %div3A_304 : i32
        %rem3A_327 = arith.constant 2 : i32
        %rem3A_328 = arith.remsi %select_n3A_326, %rem3A_327 : i32
        %rem3A_329 = arith.constant 16 : i32
        %rem3A_330 = arith.remsi %sub3A_161, %rem3A_329 : i32
        %eq3A_331 = arith.constant 0 : i32
        %eq3A_332 = arith.cmpi eq, %rem3A_330, %eq3A_331 : i32
        %convert_element_type3A_333 = arith.extui %eq3A_332 : i1 to i32
        %cond3A_334 = arith.constant 0 : i32
        %cond3A_335 = arith.cmpi ne, %convert_element_type3A_333, %cond3A_334 : i32
        scf.if %cond3A_335 {
          %mul3A_342 = arith.constant 16 : i32
          %mul3A_343 = arith.muli %select_n3A_326, %mul3A_342 : i32
          %dma_wait3A_344 = arith.constant 0 : i32
          %dma_wait3A_345 = arith.constant 0 : i32
          %dma_wait3A_346 = tpu.memref_slice %arg7[%rem3A_328, %dma_wait3A_344, %dma_wait3A_345] : memref<2x16x96xi32, #tpu.memory_space<vmem>> -> memref<1x16x96xi32, #tpu.memory_space<vmem>>
          %dma_wait3A_347 = tpu.memref_squeeze %dma_wait3A_346 : memref<1x16x96xi32, #tpu.memory_space<vmem>> -> memref<16x96xi32, #tpu.memory_space<vmem>>
          %dma_wait3A_348 = arith.constant 0 : i32
          %dma_wait3A_349 = tpu.memref_slice %arg3[%add3A, %mul3A_343, %dma_wait3A_348] : memref<32x112x96xi32, #tpu.memory_space<hbm>> -> memref<1x16x96xi32, #tpu.memory_space<hbm>>
          %dma_wait3A_350 = tpu.memref_squeeze %dma_wait3A_349 : memref<1x16x96xi32, #tpu.memory_space<hbm>> -> memref<16x96xi32, #tpu.memory_space<hbm>>
          %dma_wait3A_351 = arith.constant 0 : i32
          %dma_wait3A_352 = arith.constant 0 : i32
          %dma_wait3A_353 = tpu.memref_slice %arg7[%rem3A_328, %dma_wait3A_351, %dma_wait3A_352] : memref<2x16x96xi32, #tpu.memory_space<vmem>> -> memref<1x16x96xi32, #tpu.memory_space<vmem>>
          %dma_wait3A_354 = tpu.memref_squeeze %dma_wait3A_353 : memref<1x16x96xi32, #tpu.memory_space<vmem>> -> memref<16x96xi32, #tpu.memory_space<vmem>>
          %dma_wait3A_355 = arith.constant 0 : i32
          %dma_wait3A_356 = tpu.memref_slice %arg3[%add3A, %mul3A_343, %dma_wait3A_355] : memref<32x112x96xi32, #tpu.memory_space<hbm>> -> memref<1x16x96xi32, #tpu.memory_space<hbm>>
          %dma_wait3A_357 = tpu.memref_squeeze %dma_wait3A_356 : memref<1x16x96xi32, #tpu.memory_space<hbm>> -> memref<16x96xi32, #tpu.memory_space<hbm>>
          tpu.wait_dma2 semaphore(%arg19 : memref<!tpu.dma_semaphore, #tpu.memory_space<semaphore_mem>>) src(%dma_wait3A_357 : memref<16x96xi32, #tpu.memory_space<hbm>>) dst(%dma_wait3A_354 : memref<16x96xi32, #tpu.memory_space<vmem>>)
          %mul3A_358 = arith.constant 16 : i32
          %mul3A_359 = arith.muli %select_n3A_326, %mul3A_358 : i32
          %dma_wait3A_360 = arith.constant 0 : i32
          %dma_wait3A_361 = arith.constant 0 : i32
          %dma_wait3A_362 = tpu.memref_slice %arg8[%rem3A_328, %dma_wait3A_360, %dma_wait3A_361] : memref<2x16x96xi32, #tpu.memory_space<vmem>> -> memref<1x16x96xi32, #tpu.memory_space<vmem>>
          %dma_wait3A_363 = tpu.memref_squeeze %dma_wait3A_362 : memref<1x16x96xi32, #tpu.memory_space<vmem>> -> memref<16x96xi32, #tpu.memory_space<vmem>>
          %dma_wait3A_364 = arith.constant 0 : i32
          %dma_wait3A_365 = tpu.memref_slice %arg4[%add3A, %mul3A_359, %dma_wait3A_364] : memref<32x112x96xi32, #tpu.memory_space<hbm>> -> memref<1x16x96xi32, #tpu.memory_space<hbm>>
          %dma_wait3A_366 = tpu.memref_squeeze %dma_wait3A_365 : memref<1x16x96xi32, #tpu.memory_space<hbm>> -> memref<16x96xi32, #tpu.memory_space<hbm>>
          %dma_wait3A_367 = arith.constant 0 : i32
          %dma_wait3A_368 = arith.constant 0 : i32
          %dma_wait3A_369 = tpu.memref_slice %arg8[%rem3A_328, %dma_wait3A_367, %dma_wait3A_368] : memref<2x16x96xi32, #tpu.memory_space<vmem>> -> memref<1x16x96xi32, #tpu.memory_space<vmem>>
          %dma_wait3A_370 = tpu.memref_squeeze %dma_wait3A_369 : memref<1x16x96xi32, #tpu.memory_space<vmem>> -> memref<16x96xi32, #tpu.memory_space<vmem>>
          %dma_wait3A_371 = arith.constant 0 : i32
          %dma_wait3A_372 = tpu.memref_slice %arg4[%add3A, %mul3A_359, %dma_wait3A_371] : memref<32x112x96xi32, #tpu.memory_space<hbm>> -> memref<1x16x96xi32, #tpu.memory_space<hbm>>
          %dma_wait3A_373 = tpu.memref_squeeze %dma_wait3A_372 : memref<1x16x96xi32, #tpu.memory_space<hbm>> -> memref<16x96xi32, #tpu.memory_space<hbm>>
          tpu.wait_dma2 semaphore(%arg20 : memref<!tpu.dma_semaphore, #tpu.memory_space<semaphore_mem>>) src(%dma_wait3A_373 : memref<16x96xi32, #tpu.memory_space<hbm>>) dst(%dma_wait3A_370 : memref<16x96xi32, #tpu.memory_space<vmem>>)
        } else {
        }
        %dma_start3A_336 = arith.constant 0 : i32
        %dma_start3A_337 = tpu.memref_slice %arg7[%rem3A_328, %rem3A_330, %dma_start3A_336] : memref<2x16x96xi32, #tpu.memory_space<vmem>> -> memref<1x1x96xi32, #tpu.memory_space<vmem>>
        %dma_start3A_338 = tpu.memref_squeeze %dma_start3A_337 : memref<1x1x96xi32, #tpu.memory_space<vmem>> -> memref<96xi32, #tpu.memory_space<vmem>>
        %dma_start3A_339 = arith.constant 0 : i32
        %dma_start3A_340 = arith.constant 0 : i32
        %dma_start3A_341 = tpu.memref_slice %arg2[%dma_start3A_339, %dma_start3A_340] : memref<10000x128xf32, #tpu.memory_space<hbm>> -> memref<10000x128xf32, #tpu.memory_space<hbm>>
        tpu.enqueue_indirect_dma source(%dma_start3A_341 : memref<10000x128xf32, #tpu.memory_space<hbm>>) target(%arg11 : memref<96x128xf32, #tpu.memory_space<vmem>>) offsets(%dma_start3A_338 : memref<96xi32, #tpu.memory_space<vmem>>) semaphore(%arg15 : memref<!tpu.dma_semaphore, #tpu.memory_space<semaphore_mem>>)
      } else {
      }
      %add3A_167 = arith.constant 1 : i32
      %add3A_168 = arith.addi %mul3A_108, %add3A_167 : i32
      %jit3A_169 = arith.constant 16 : i32
      %div3A_170 = arith.divsi %add3A_168, %jit3A_169 : i32
      %sign3A_171 = arith.constant 0 : i32
      %sign3A_172 = arith.cmpi sgt, %add3A_168, %sign3A_171 : i32
      %sign3A_173 = arith.extui %sign3A_172 : i1 to i32
      %sign3A_174 = arith.constant 0 : i32
      %sign3A_175 = arith.cmpi slt, %add3A_168, %sign3A_174 : i32
      %sign3A_176 = arith.extui %sign3A_175 : i1 to i32
      %sign3A_177 = arith.subi %sign3A_173, %sign3A_176 : i32
      %sign3A_178 = arith.constant 0 : i32
      %sign3A_179 = arith.cmpi sgt, %jit3A_169, %sign3A_178 : i32
      %sign3A_180 = arith.extui %sign3A_179 : i1 to i32
      %sign3A_181 = arith.constant 0 : i32
      %sign3A_182 = arith.cmpi slt, %jit3A_169, %sign3A_181 : i32
      %sign3A_183 = arith.extui %sign3A_182 : i1 to i32
      %sign3A_184 = arith.subi %sign3A_180, %sign3A_183 : i32
      %ne3A_185 = arith.cmpi ne, %sign3A_177, %sign3A_184 : i32
      %rem3A_186 = arith.remsi %add3A_168, %jit3A_169 : i32
      %ne3A_187 = arith.constant 0 : i32
      %ne3A_188 = arith.cmpi ne, %rem3A_186, %ne3A_187 : i32
      %and3A_189 = arith.andi %ne3A_185, %ne3A_188 : i1
      %sub3A_190 = arith.constant 1 : i32
      %sub3A_191 = arith.subi %div3A_170, %sub3A_190 : i32
      %select_n3A_192 = arith.select %and3A_189, %sub3A_191, %div3A_170 : i32
      %rem3A_193 = arith.constant 2 : i32
      %rem3A_194 = arith.remsi %select_n3A_192, %rem3A_193 : i32
      %rem3A_195 = arith.constant 16 : i32
      %rem3A_196 = arith.remsi %add3A_168, %rem3A_195 : i32
      %dma_wait3A_197 = arith.constant 0 : i32
      %dma_wait3A_198 = tpu.memref_slice %arg7[%rem3A_194, %rem3A_196, %dma_wait3A_197] : memref<2x16x96xi32, #tpu.memory_space<vmem>> -> memref<1x1x96xi32, #tpu.memory_space<vmem>>
      %dma_wait3A_199 = tpu.memref_squeeze %dma_wait3A_198 : memref<1x1x96xi32, #tpu.memory_space<vmem>> -> memref<96xi32, #tpu.memory_space<vmem>>
      %dma_wait3A_200 = arith.constant 0 : i32
      %dma_wait3A_201 = arith.constant 0 : i32
      %dma_wait3A_202 = tpu.memref_slice %arg2[%dma_wait3A_200, %dma_wait3A_201] : memref<10000x128xf32, #tpu.memory_space<hbm>> -> memref<10000x128xf32, #tpu.memory_space<hbm>>
      tpu.wait_indirect_dma semaphore(%arg14 : memref<!tpu.dma_semaphore, #tpu.memory_space<semaphore_mem>>) src(%dma_wait3A_202 : memref<10000x128xf32, #tpu.memory_space<hbm>>) dst(%arg10 : memref<96x128xf32, #tpu.memory_space<vmem>>)
      %dma_start3A_203 = arith.constant 0 : i32
      %dma_start3A_204 = tpu.memref_slice %arg8[%rem3A_194, %rem3A_196, %dma_start3A_203] : memref<2x16x96xi32, #tpu.memory_space<vmem>> -> memref<1x1x96xi32, #tpu.memory_space<vmem>>
      %dma_start3A_205 = tpu.memref_squeeze %dma_start3A_204 : memref<1x1x96xi32, #tpu.memory_space<vmem>> -> memref<96xi32, #tpu.memory_space<vmem>>
      %dma_start3A_206 = arith.constant 0 : i32
      %dma_start3A_207 = arith.constant 0 : i32
      %dma_start3A_208 = tpu.memref_slice %arg12[%dma_start3A_206, %dma_start3A_207] : memref<10008x128xf32, #tpu.memory_space<vmem_shared>> -> memref<10008x128xf32, #tpu.memory_space<vmem_shared>>
      tpu.enqueue_indirect_dma source(%arg10 : memref<96x128xf32, #tpu.memory_space<vmem>>) target(%dma_start3A_208 : memref<10008x128xf32, #tpu.memory_space<vmem_shared>>) offsets(%dma_start3A_205 : memref<96xi32, #tpu.memory_space<vmem>>) semaphore(%arg17 : memref<!tpu.dma_semaphore, #tpu.memory_space<semaphore_mem>>) {add = true}
      %sub3A_209 = arith.constant 1 : i32
      %sub3A_210 = arith.subi %add3A_168, %sub3A_209 : i32
      %ge3A_211 = arith.constant 0 : i32
      %ge3A_212 = arith.cmpi sge, %sub3A_210, %ge3A_211 : i32
      %convert_element_type3A_213 = arith.extui %ge3A_212 : i1 to i32
      %cond3A_214 = arith.constant 0 : i32
      %cond3A_215 = arith.cmpi ne, %convert_element_type3A_213, %cond3A_214 : i32
      scf.if %cond3A_215 {
        %jit3A_303 = arith.constant 16 : i32
        %div3A_304 = arith.divsi %sub3A_210, %jit3A_303 : i32
        %sign3A_305 = arith.constant 0 : i32
        %sign3A_306 = arith.cmpi sgt, %sub3A_210, %sign3A_305 : i32
        %sign3A_307 = arith.extui %sign3A_306 : i1 to i32
        %sign3A_308 = arith.constant 0 : i32
        %sign3A_309 = arith.cmpi slt, %sub3A_210, %sign3A_308 : i32
        %sign3A_310 = arith.extui %sign3A_309 : i1 to i32
        %sign3A_311 = arith.subi %sign3A_307, %sign3A_310 : i32
        %sign3A_312 = arith.constant 0 : i32
        %sign3A_313 = arith.cmpi sgt, %jit3A_303, %sign3A_312 : i32
        %sign3A_314 = arith.extui %sign3A_313 : i1 to i32
        %sign3A_315 = arith.constant 0 : i32
        %sign3A_316 = arith.cmpi slt, %jit3A_303, %sign3A_315 : i32
        %sign3A_317 = arith.extui %sign3A_316 : i1 to i32
        %sign3A_318 = arith.subi %sign3A_314, %sign3A_317 : i32
        %ne3A_319 = arith.cmpi ne, %sign3A_311, %sign3A_318 : i32
        %rem3A_320 = arith.remsi %sub3A_210, %jit3A_303 : i32
        %ne3A_321 = arith.constant 0 : i32
        %ne3A_322 = arith.cmpi ne, %rem3A_320, %ne3A_321 : i32
        %and3A_323 = arith.andi %ne3A_319, %ne3A_322 : i1
        %sub3A_324 = arith.constant 1 : i32
        %sub3A_325 = arith.subi %div3A_304, %sub3A_324 : i32
        %select_n3A_326 = arith.select %and3A_323, %sub3A_325, %div3A_304 : i32
        %rem3A_327 = arith.constant 2 : i32
        %rem3A_328 = arith.remsi %select_n3A_326, %rem3A_327 : i32
        %rem3A_329 = arith.constant 16 : i32
        %rem3A_330 = arith.remsi %sub3A_210, %rem3A_329 : i32
        %dma_wait3A_331 = arith.constant 0 : i32
        %dma_wait3A_332 = tpu.memref_slice %arg8[%rem3A_328, %rem3A_330, %dma_wait3A_331] : memref<2x16x96xi32, #tpu.memory_space<vmem>> -> memref<1x1x96xi32, #tpu.memory_space<vmem>>
        %dma_wait3A_333 = tpu.memref_squeeze %dma_wait3A_332 : memref<1x1x96xi32, #tpu.memory_space<vmem>> -> memref<96xi32, #tpu.memory_space<vmem>>
        %dma_wait3A_334 = arith.constant 0 : i32
        %dma_wait3A_335 = arith.constant 0 : i32
        %dma_wait3A_336 = tpu.memref_slice %arg12[%dma_wait3A_334, %dma_wait3A_335] : memref<10008x128xf32, #tpu.memory_space<vmem_shared>> -> memref<10008x128xf32, #tpu.memory_space<vmem_shared>>
        tpu.wait_indirect_dma semaphore(%arg16 : memref<!tpu.dma_semaphore, #tpu.memory_space<semaphore_mem>>) src(%arg9 : memref<96x128xf32, #tpu.memory_space<vmem>>) dst(%dma_wait3A_336 : memref<10008x128xf32, #tpu.memory_space<vmem_shared>>)
      } else {
      }
      %eq3A_216 = arith.constant 0 : i32
      %eq3A_217 = arith.cmpi eq, %rem3A_196, %eq3A_216 : i32
      %add3A_218 = arith.constant 1 : i32
      %add3A_219 = arith.addi %select_n3A_192, %add3A_218 : i32
      %lt3A_220 = arith.constant 7 : i32
      %lt3A_221 = arith.cmpi slt, %add3A_219, %lt3A_220 : i32
      %and3A_222 = arith.andi %eq3A_217, %lt3A_221 : i1
      %convert_element_type3A_223 = arith.extui %and3A_222 : i1 to i32
      %cond3A_224 = arith.constant 0 : i32
      %cond3A_225 = arith.cmpi ne, %convert_element_type3A_223, %cond3A_224 : i32
      scf.if %cond3A_225 {
        %add3A_303 = arith.constant 1 : i32
        %add3A_304 = arith.addi %select_n3A_192, %add3A_303 : i32
        %rem3A_305 = arith.constant 2 : i32
        %rem3A_306 = arith.remsi %add3A_304, %rem3A_305 : i32
        %mul3A_307 = arith.constant 16 : i32
        %mul3A_308 = arith.muli %add3A_304, %mul3A_307 : i32
        %dma_start3A_309 = arith.constant 0 : i32
        %dma_start3A_310 = arith.constant 0 : i32
        %dma_start3A_311 = tpu.memref_slice %arg7[%rem3A_306, %dma_start3A_309, %dma_start3A_310] : memref<2x16x96xi32, #tpu.memory_space<vmem>> -> memref<1x16x96xi32, #tpu.memory_space<vmem>>
        %dma_start3A_312 = tpu.memref_squeeze %dma_start3A_311 : memref<1x16x96xi32, #tpu.memory_space<vmem>> -> memref<16x96xi32, #tpu.memory_space<vmem>>
        %dma_start3A_313 = arith.constant 0 : i32
        %dma_start3A_314 = tpu.memref_slice %arg3[%add3A, %mul3A_308, %dma_start3A_313] : memref<32x112x96xi32, #tpu.memory_space<hbm>> -> memref<1x16x96xi32, #tpu.memory_space<hbm>>
        %dma_start3A_315 = tpu.memref_squeeze %dma_start3A_314 : memref<1x16x96xi32, #tpu.memory_space<hbm>> -> memref<16x96xi32, #tpu.memory_space<hbm>>
        %dma_start3A_316 = arith.constant 0 : i32
        %dma_start3A_317 = arith.constant 0 : i32
        %dma_start3A_318 = tpu.memref_slice %arg7[%rem3A_306, %dma_start3A_316, %dma_start3A_317] : memref<2x16x96xi32, #tpu.memory_space<vmem>> -> memref<1x16x96xi32, #tpu.memory_space<vmem>>
        %dma_start3A_319 = tpu.memref_squeeze %dma_start3A_318 : memref<1x16x96xi32, #tpu.memory_space<vmem>> -> memref<16x96xi32, #tpu.memory_space<vmem>>
        %dma_start3A_320 = arith.constant 0 : i32
        %dma_start3A_321 = tpu.memref_slice %arg3[%add3A, %mul3A_308, %dma_start3A_320] : memref<32x112x96xi32, #tpu.memory_space<hbm>> -> memref<1x16x96xi32, #tpu.memory_space<hbm>>
        %dma_start3A_322 = tpu.memref_squeeze %dma_start3A_321 : memref<1x16x96xi32, #tpu.memory_space<hbm>> -> memref<16x96xi32, #tpu.memory_space<hbm>>
        tpu.enqueue_dma source(%dma_start3A_322 : memref<16x96xi32, #tpu.memory_space<hbm>>) target(%dma_start3A_319 : memref<16x96xi32, #tpu.memory_space<vmem>>) target_semaphore(%arg19 : memref<!tpu.dma_semaphore, #tpu.memory_space<semaphore_mem>>)
        %mul3A_323 = arith.constant 16 : i32
        %mul3A_324 = arith.muli %add3A_304, %mul3A_323 : i32
        %dma_start3A_325 = arith.constant 0 : i32
        %dma_start3A_326 = arith.constant 0 : i32
        %dma_start3A_327 = tpu.memref_slice %arg8[%rem3A_306, %dma_start3A_325, %dma_start3A_326] : memref<2x16x96xi32, #tpu.memory_space<vmem>> -> memref<1x16x96xi32, #tpu.memory_space<vmem>>
        %dma_start3A_328 = tpu.memref_squeeze %dma_start3A_327 : memref<1x16x96xi32, #tpu.memory_space<vmem>> -> memref<16x96xi32, #tpu.memory_space<vmem>>
        %dma_start3A_329 = arith.constant 0 : i32
        %dma_start3A_330 = tpu.memref_slice %arg4[%add3A, %mul3A_324, %dma_start3A_329] : memref<32x112x96xi32, #tpu.memory_space<hbm>> -> memref<1x16x96xi32, #tpu.memory_space<hbm>>
        %dma_start3A_331 = tpu.memref_squeeze %dma_start3A_330 : memref<1x16x96xi32, #tpu.memory_space<hbm>> -> memref<16x96xi32, #tpu.memory_space<hbm>>
        %dma_start3A_332 = arith.constant 0 : i32
        %dma_start3A_333 = arith.constant 0 : i32
        %dma_start3A_334 = tpu.memref_slice %arg8[%rem3A_306, %dma_start3A_332, %dma_start3A_333] : memref<2x16x96xi32, #tpu.memory_space<vmem>> -> memref<1x16x96xi32, #tpu.memory_space<vmem>>
        %dma_start3A_335 = tpu.memref_squeeze %dma_start3A_334 : memref<1x16x96xi32, #tpu.memory_space<vmem>> -> memref<16x96xi32, #tpu.memory_space<vmem>>
        %dma_start3A_336 = arith.constant 0 : i32
        %dma_start3A_337 = tpu.memref_slice %arg4[%add3A, %mul3A_324, %dma_start3A_336] : memref<32x112x96xi32, #tpu.memory_space<hbm>> -> memref<1x16x96xi32, #tpu.memory_space<hbm>>
        %dma_start3A_338 = tpu.memref_squeeze %dma_start3A_337 : memref<1x16x96xi32, #tpu.memory_space<hbm>> -> memref<16x96xi32, #tpu.memory_space<hbm>>
        tpu.enqueue_dma source(%dma_start3A_338 : memref<16x96xi32, #tpu.memory_space<hbm>>) target(%dma_start3A_335 : memref<16x96xi32, #tpu.memory_space<vmem>>) target_semaphore(%arg20 : memref<!tpu.dma_semaphore, #tpu.memory_space<semaphore_mem>>)
      } else {
      }
      %add3A_226 = arith.constant 3 : i32
      %add3A_227 = arith.addi %add3A_168, %add3A_226 : i32
      %sub3A_228 = arith.constant 1 : i32
      %sub3A_229 = arith.subi %add3A_227, %sub3A_228 : i32
      %lt3A_230 = arith.constant 105 : i32
      %lt3A_231 = arith.cmpi slt, %sub3A_229, %lt3A_230 : i32
      %convert_element_type3A_232 = arith.extui %lt3A_231 : i1 to i32
      %cond3A_233 = arith.constant 0 : i32
      %cond3A_234 = arith.cmpi ne, %convert_element_type3A_232, %cond3A_233 : i32
      scf.if %cond3A_234 {
        %jit3A_303 = arith.constant 16 : i32
        %div3A_304 = arith.divsi %sub3A_229, %jit3A_303 : i32
        %sign3A_305 = arith.constant 0 : i32
        %sign3A_306 = arith.cmpi sgt, %sub3A_229, %sign3A_305 : i32
        %sign3A_307 = arith.extui %sign3A_306 : i1 to i32
        %sign3A_308 = arith.constant 0 : i32
        %sign3A_309 = arith.cmpi slt, %sub3A_229, %sign3A_308 : i32
        %sign3A_310 = arith.extui %sign3A_309 : i1 to i32
        %sign3A_311 = arith.subi %sign3A_307, %sign3A_310 : i32
        %sign3A_312 = arith.constant 0 : i32
        %sign3A_313 = arith.cmpi sgt, %jit3A_303, %sign3A_312 : i32
        %sign3A_314 = arith.extui %sign3A_313 : i1 to i32
        %sign3A_315 = arith.constant 0 : i32
        %sign3A_316 = arith.cmpi slt, %jit3A_303, %sign3A_315 : i32
        %sign3A_317 = arith.extui %sign3A_316 : i1 to i32
        %sign3A_318 = arith.subi %sign3A_314, %sign3A_317 : i32
        %ne3A_319 = arith.cmpi ne, %sign3A_311, %sign3A_318 : i32
        %rem3A_320 = arith.remsi %sub3A_229, %jit3A_303 : i32
        %ne3A_321 = arith.constant 0 : i32
        %ne3A_322 = arith.cmpi ne, %rem3A_320, %ne3A_321 : i32
        %and3A_323 = arith.andi %ne3A_319, %ne3A_322 : i1
        %sub3A_324 = arith.constant 1 : i32
        %sub3A_325 = arith.subi %div3A_304, %sub3A_324 : i32
        %select_n3A_326 = arith.select %and3A_323, %sub3A_325, %div3A_304 : i32
        %rem3A_327 = arith.constant 2 : i32
        %rem3A_328 = arith.remsi %select_n3A_326, %rem3A_327 : i32
        %rem3A_329 = arith.constant 16 : i32
        %rem3A_330 = arith.remsi %sub3A_229, %rem3A_329 : i32
        %eq3A_331 = arith.constant 0 : i32
        %eq3A_332 = arith.cmpi eq, %rem3A_330, %eq3A_331 : i32
        %convert_element_type3A_333 = arith.extui %eq3A_332 : i1 to i32
        %cond3A_334 = arith.constant 0 : i32
        %cond3A_335 = arith.cmpi ne, %convert_element_type3A_333, %cond3A_334 : i32
        scf.if %cond3A_335 {
          %mul3A_342 = arith.constant 16 : i32
          %mul3A_343 = arith.muli %select_n3A_326, %mul3A_342 : i32
          %dma_wait3A_344 = arith.constant 0 : i32
          %dma_wait3A_345 = arith.constant 0 : i32
          %dma_wait3A_346 = tpu.memref_slice %arg7[%rem3A_328, %dma_wait3A_344, %dma_wait3A_345] : memref<2x16x96xi32, #tpu.memory_space<vmem>> -> memref<1x16x96xi32, #tpu.memory_space<vmem>>
          %dma_wait3A_347 = tpu.memref_squeeze %dma_wait3A_346 : memref<1x16x96xi32, #tpu.memory_space<vmem>> -> memref<16x96xi32, #tpu.memory_space<vmem>>
          %dma_wait3A_348 = arith.constant 0 : i32
          %dma_wait3A_349 = tpu.memref_slice %arg3[%add3A, %mul3A_343, %dma_wait3A_348] : memref<32x112x96xi32, #tpu.memory_space<hbm>> -> memref<1x16x96xi32, #tpu.memory_space<hbm>>
          %dma_wait3A_350 = tpu.memref_squeeze %dma_wait3A_349 : memref<1x16x96xi32, #tpu.memory_space<hbm>> -> memref<16x96xi32, #tpu.memory_space<hbm>>
          %dma_wait3A_351 = arith.constant 0 : i32
          %dma_wait3A_352 = arith.constant 0 : i32
          %dma_wait3A_353 = tpu.memref_slice %arg7[%rem3A_328, %dma_wait3A_351, %dma_wait3A_352] : memref<2x16x96xi32, #tpu.memory_space<vmem>> -> memref<1x16x96xi32, #tpu.memory_space<vmem>>
          %dma_wait3A_354 = tpu.memref_squeeze %dma_wait3A_353 : memref<1x16x96xi32, #tpu.memory_space<vmem>> -> memref<16x96xi32, #tpu.memory_space<vmem>>
          %dma_wait3A_355 = arith.constant 0 : i32
          %dma_wait3A_356 = tpu.memref_slice %arg3[%add3A, %mul3A_343, %dma_wait3A_355] : memref<32x112x96xi32, #tpu.memory_space<hbm>> -> memref<1x16x96xi32, #tpu.memory_space<hbm>>
          %dma_wait3A_357 = tpu.memref_squeeze %dma_wait3A_356 : memref<1x16x96xi32, #tpu.memory_space<hbm>> -> memref<16x96xi32, #tpu.memory_space<hbm>>
          tpu.wait_dma2 semaphore(%arg19 : memref<!tpu.dma_semaphore, #tpu.memory_space<semaphore_mem>>) src(%dma_wait3A_357 : memref<16x96xi32, #tpu.memory_space<hbm>>) dst(%dma_wait3A_354 : memref<16x96xi32, #tpu.memory_space<vmem>>)
          %mul3A_358 = arith.constant 16 : i32
          %mul3A_359 = arith.muli %select_n3A_326, %mul3A_358 : i32
          %dma_wait3A_360 = arith.constant 0 : i32
          %dma_wait3A_361 = arith.constant 0 : i32
          %dma_wait3A_362 = tpu.memref_slice %arg8[%rem3A_328, %dma_wait3A_360, %dma_wait3A_361] : memref<2x16x96xi32, #tpu.memory_space<vmem>> -> memref<1x16x96xi32, #tpu.memory_space<vmem>>
          %dma_wait3A_363 = tpu.memref_squeeze %dma_wait3A_362 : memref<1x16x96xi32, #tpu.memory_space<vmem>> -> memref<16x96xi32, #tpu.memory_space<vmem>>
          %dma_wait3A_364 = arith.constant 0 : i32
          %dma_wait3A_365 = tpu.memref_slice %arg4[%add3A, %mul3A_359, %dma_wait3A_364] : memref<32x112x96xi32, #tpu.memory_space<hbm>> -> memref<1x16x96xi32, #tpu.memory_space<hbm>>
          %dma_wait3A_366 = tpu.memref_squeeze %dma_wait3A_365 : memref<1x16x96xi32, #tpu.memory_space<hbm>> -> memref<16x96xi32, #tpu.memory_space<hbm>>
          %dma_wait3A_367 = arith.constant 0 : i32
          %dma_wait3A_368 = arith.constant 0 : i32
          %dma_wait3A_369 = tpu.memref_slice %arg8[%rem3A_328, %dma_wait3A_367, %dma_wait3A_368] : memref<2x16x96xi32, #tpu.memory_space<vmem>> -> memref<1x16x96xi32, #tpu.memory_space<vmem>>
          %dma_wait3A_370 = tpu.memref_squeeze %dma_wait3A_369 : memref<1x16x96xi32, #tpu.memory_space<vmem>> -> memref<16x96xi32, #tpu.memory_space<vmem>>
          %dma_wait3A_371 = arith.constant 0 : i32
          %dma_wait3A_372 = tpu.memref_slice %arg4[%add3A, %mul3A_359, %dma_wait3A_371] : memref<32x112x96xi32, #tpu.memory_space<hbm>> -> memref<1x16x96xi32, #tpu.memory_space<hbm>>
          %dma_wait3A_373 = tpu.memref_squeeze %dma_wait3A_372 : memref<1x16x96xi32, #tpu.memory_space<hbm>> -> memref<16x96xi32, #tpu.memory_space<hbm>>
          tpu.wait_dma2 semaphore(%arg20 : memref<!tpu.dma_semaphore, #tpu.memory_space<semaphore_mem>>) src(%dma_wait3A_373 : memref<16x96xi32, #tpu.memory_space<hbm>>) dst(%dma_wait3A_370 : memref<16x96xi32, #tpu.memory_space<vmem>>)
        } else {
        }
        %dma_start3A_336 = arith.constant 0 : i32
        %dma_start3A_337 = tpu.memref_slice %arg7[%rem3A_328, %rem3A_330, %dma_start3A_336] : memref<2x16x96xi32, #tpu.memory_space<vmem>> -> memref<1x1x96xi32, #tpu.memory_space<vmem>>
        %dma_start3A_338 = tpu.memref_squeeze %dma_start3A_337 : memref<1x1x96xi32, #tpu.memory_space<vmem>> -> memref<96xi32, #tpu.memory_space<vmem>>
        %dma_start3A_339 = arith.constant 0 : i32
        %dma_start3A_340 = arith.constant 0 : i32
        %dma_start3A_341 = tpu.memref_slice %arg2[%dma_start3A_339, %dma_start3A_340] : memref<10000x128xf32, #tpu.memory_space<hbm>> -> memref<10000x128xf32, #tpu.memory_space<hbm>>
        tpu.enqueue_indirect_dma source(%dma_start3A_341 : memref<10000x128xf32, #tpu.memory_space<hbm>>) target(%arg9 : memref<96x128xf32, #tpu.memory_space<vmem>>) offsets(%dma_start3A_338 : memref<96xi32, #tpu.memory_space<vmem>>) semaphore(%arg13 : memref<!tpu.dma_semaphore, #tpu.memory_space<semaphore_mem>>)
      } else {
      }
      %add3A_235 = arith.constant 2 : i32
      %add3A_236 = arith.addi %mul3A_108, %add3A_235 : i32
      %jit3A_237 = arith.constant 16 : i32
      %div3A_238 = arith.divsi %add3A_236, %jit3A_237 : i32
      %sign3A_239 = arith.constant 0 : i32
      %sign3A_240 = arith.cmpi sgt, %add3A_236, %sign3A_239 : i32
      %sign3A_241 = arith.extui %sign3A_240 : i1 to i32
      %sign3A_242 = arith.constant 0 : i32
      %sign3A_243 = arith.cmpi slt, %add3A_236, %sign3A_242 : i32
      %sign3A_244 = arith.extui %sign3A_243 : i1 to i32
      %sign3A_245 = arith.subi %sign3A_241, %sign3A_244 : i32
      %sign3A_246 = arith.constant 0 : i32
      %sign3A_247 = arith.cmpi sgt, %jit3A_237, %sign3A_246 : i32
      %sign3A_248 = arith.extui %sign3A_247 : i1 to i32
      %sign3A_249 = arith.constant 0 : i32
      %sign3A_250 = arith.cmpi slt, %jit3A_237, %sign3A_249 : i32
      %sign3A_251 = arith.extui %sign3A_250 : i1 to i32
      %sign3A_252 = arith.subi %sign3A_248, %sign3A_251 : i32
      %ne3A_253 = arith.cmpi ne, %sign3A_245, %sign3A_252 : i32
      %rem3A_254 = arith.remsi %add3A_236, %jit3A_237 : i32
      %ne3A_255 = arith.constant 0 : i32
      %ne3A_256 = arith.cmpi ne, %rem3A_254, %ne3A_255 : i32
      %and3A_257 = arith.andi %ne3A_253, %ne3A_256 : i1
      %sub3A_258 = arith.constant 1 : i32
      %sub3A_259 = arith.subi %div3A_238, %sub3A_258 : i32
      %select_n3A_260 = arith.select %and3A_257, %sub3A_259, %div3A_238 : i32
      %rem3A_261 = arith.constant 2 : i32
      %rem3A_262 = arith.remsi %select_n3A_260, %rem3A_261 : i32
      %rem3A_263 = arith.constant 16 : i32
      %rem3A_264 = arith.remsi %add3A_236, %rem3A_263 : i32
      %dma_wait3A_265 = arith.constant 0 : i32
      %dma_wait3A_266 = tpu.memref_slice %arg7[%rem3A_262, %rem3A_264, %dma_wait3A_265] : memref<2x16x96xi32, #tpu.memory_space<vmem>> -> memref<1x1x96xi32, #tpu.memory_space<vmem>>
      %dma_wait3A_267 = tpu.memref_squeeze %dma_wait3A_266 : memref<1x1x96xi32, #tpu.memory_space<vmem>> -> memref<96xi32, #tpu.memory_space<vmem>>
      %dma_wait3A_268 = arith.constant 0 : i32
      %dma_wait3A_269 = arith.constant 0 : i32
      %dma_wait3A_270 = tpu.memref_slice %arg2[%dma_wait3A_268, %dma_wait3A_269] : memref<10000x128xf32, #tpu.memory_space<hbm>> -> memref<10000x128xf32, #tpu.memory_space<hbm>>
      tpu.wait_indirect_dma semaphore(%arg15 : memref<!tpu.dma_semaphore, #tpu.memory_space<semaphore_mem>>) src(%dma_wait3A_270 : memref<10000x128xf32, #tpu.memory_space<hbm>>) dst(%arg11 : memref<96x128xf32, #tpu.memory_space<vmem>>)
      %dma_start3A_271 = arith.constant 0 : i32
      %dma_start3A_272 = tpu.memref_slice %arg8[%rem3A_262, %rem3A_264, %dma_start3A_271] : memref<2x16x96xi32, #tpu.memory_space<vmem>> -> memref<1x1x96xi32, #tpu.memory_space<vmem>>
      %dma_start3A_273 = tpu.memref_squeeze %dma_start3A_272 : memref<1x1x96xi32, #tpu.memory_space<vmem>> -> memref<96xi32, #tpu.memory_space<vmem>>
      %dma_start3A_274 = arith.constant 0 : i32
      %dma_start3A_275 = arith.constant 0 : i32
      %dma_start3A_276 = tpu.memref_slice %arg12[%dma_start3A_274, %dma_start3A_275] : memref<10008x128xf32, #tpu.memory_space<vmem_shared>> -> memref<10008x128xf32, #tpu.memory_space<vmem_shared>>
      tpu.enqueue_indirect_dma source(%arg11 : memref<96x128xf32, #tpu.memory_space<vmem>>) target(%dma_start3A_276 : memref<10008x128xf32, #tpu.memory_space<vmem_shared>>) offsets(%dma_start3A_273 : memref<96xi32, #tpu.memory_space<vmem>>) semaphore(%arg18 : memref<!tpu.dma_semaphore, #tpu.memory_space<semaphore_mem>>) {add = true}
      %sub3A_277 = arith.constant 1 : i32
      %sub3A_278 = arith.subi %add3A_236, %sub3A_277 : i32
      %ge3A_279 = arith.constant 0 : i32
      %ge3A_280 = arith.cmpi sge, %sub3A_278, %ge3A_279 : i32
      %convert_element_type3A_281 = arith.extui %ge3A_280 : i1 to i32
      %cond3A_282 = arith.constant 0 : i32
      %cond3A_283 = arith.cmpi ne, %convert_element_type3A_281, %cond3A_282 : i32
      scf.if %cond3A_283 {
        %jit3A_303 = arith.constant 16 : i32
        %div3A_304 = arith.divsi %sub3A_278, %jit3A_303 : i32
        %sign3A_305 = arith.constant 0 : i32
        %sign3A_306 = arith.cmpi sgt, %sub3A_278, %sign3A_305 : i32
        %sign3A_307 = arith.extui %sign3A_306 : i1 to i32
        %sign3A_308 = arith.constant 0 : i32
        %sign3A_309 = arith.cmpi slt, %sub3A_278, %sign3A_308 : i32
        %sign3A_310 = arith.extui %sign3A_309 : i1 to i32
        %sign3A_311 = arith.subi %sign3A_307, %sign3A_310 : i32
        %sign3A_312 = arith.constant 0 : i32
        %sign3A_313 = arith.cmpi sgt, %jit3A_303, %sign3A_312 : i32
        %sign3A_314 = arith.extui %sign3A_313 : i1 to i32
        %sign3A_315 = arith.constant 0 : i32
        %sign3A_316 = arith.cmpi slt, %jit3A_303, %sign3A_315 : i32
        %sign3A_317 = arith.extui %sign3A_316 : i1 to i32
        %sign3A_318 = arith.subi %sign3A_314, %sign3A_317 : i32
        %ne3A_319 = arith.cmpi ne, %sign3A_311, %sign3A_318 : i32
        %rem3A_320 = arith.remsi %sub3A_278, %jit3A_303 : i32
        %ne3A_321 = arith.constant 0 : i32
        %ne3A_322 = arith.cmpi ne, %rem3A_320, %ne3A_321 : i32
        %and3A_323 = arith.andi %ne3A_319, %ne3A_322 : i1
        %sub3A_324 = arith.constant 1 : i32
        %sub3A_325 = arith.subi %div3A_304, %sub3A_324 : i32
        %select_n3A_326 = arith.select %and3A_323, %sub3A_325, %div3A_304 : i32
        %rem3A_327 = arith.constant 2 : i32
        %rem3A_328 = arith.remsi %select_n3A_326, %rem3A_327 : i32
        %rem3A_329 = arith.constant 16 : i32
        %rem3A_330 = arith.remsi %sub3A_278, %rem3A_329 : i32
        %dma_wait3A_331 = arith.constant 0 : i32
        %dma_wait3A_332 = tpu.memref_slice %arg8[%rem3A_328, %rem3A_330, %dma_wait3A_331] : memref<2x16x96xi32, #tpu.memory_space<vmem>> -> memref<1x1x96xi32, #tpu.memory_space<vmem>>
        %dma_wait3A_333 = tpu.memref_squeeze %dma_wait3A_332 : memref<1x1x96xi32, #tpu.memory_space<vmem>> -> memref<96xi32, #tpu.memory_space<vmem>>
        %dma_wait3A_334 = arith.constant 0 : i32
        %dma_wait3A_335 = arith.constant 0 : i32
        %dma_wait3A_336 = tpu.memref_slice %arg12[%dma_wait3A_334, %dma_wait3A_335] : memref<10008x128xf32, #tpu.memory_space<vmem_shared>> -> memref<10008x128xf32, #tpu.memory_space<vmem_shared>>
        tpu.wait_indirect_dma semaphore(%arg17 : memref<!tpu.dma_semaphore, #tpu.memory_space<semaphore_mem>>) src(%arg10 : memref<96x128xf32, #tpu.memory_space<vmem>>) dst(%dma_wait3A_336 : memref<10008x128xf32, #tpu.memory_space<vmem_shared>>)
      } else {
      }
      %eq3A_284 = arith.constant 0 : i32
      %eq3A_285 = arith.cmpi eq, %rem3A_264, %eq3A_284 : i32
      %add3A_286 = arith.constant 1 : i32
      %add3A_287 = arith.addi %select_n3A_260, %add3A_286 : i32
      %lt3A_288 = arith.constant 7 : i32
      %lt3A_289 = arith.cmpi slt, %add3A_287, %lt3A_288 : i32
      %and3A_290 = arith.andi %eq3A_285, %lt3A_289 : i1
      %convert_element_type3A_291 = arith.extui %and3A_290 : i1 to i32
      %cond3A_292 = arith.constant 0 : i32
      %cond3A_293 = arith.cmpi ne, %convert_element_type3A_291, %cond3A_292 : i32
      scf.if %cond3A_293 {
        %add3A_303 = arith.constant 1 : i32
        %add3A_304 = arith.addi %select_n3A_260, %add3A_303 : i32
        %rem3A_305 = arith.constant 2 : i32
        %rem3A_306 = arith.remsi %add3A_304, %rem3A_305 : i32
        %mul3A_307 = arith.constant 16 : i32
        %mul3A_308 = arith.muli %add3A_304, %mul3A_307 : i32
        %dma_start3A_309 = arith.constant 0 : i32
        %dma_start3A_310 = arith.constant 0 : i32
        %dma_start3A_311 = tpu.memref_slice %arg7[%rem3A_306, %dma_start3A_309, %dma_start3A_310] : memref<2x16x96xi32, #tpu.memory_space<vmem>> -> memref<1x16x96xi32, #tpu.memory_space<vmem>>
        %dma_start3A_312 = tpu.memref_squeeze %dma_start3A_311 : memref<1x16x96xi32, #tpu.memory_space<vmem>> -> memref<16x96xi32, #tpu.memory_space<vmem>>
        %dma_start3A_313 = arith.constant 0 : i32
        %dma_start3A_314 = tpu.memref_slice %arg3[%add3A, %mul3A_308, %dma_start3A_313] : memref<32x112x96xi32, #tpu.memory_space<hbm>> -> memref<1x16x96xi32, #tpu.memory_space<hbm>>
        %dma_start3A_315 = tpu.memref_squeeze %dma_start3A_314 : memref<1x16x96xi32, #tpu.memory_space<hbm>> -> memref<16x96xi32, #tpu.memory_space<hbm>>
        %dma_start3A_316 = arith.constant 0 : i32
        %dma_start3A_317 = arith.constant 0 : i32
        %dma_start3A_318 = tpu.memref_slice %arg7[%rem3A_306, %dma_start3A_316, %dma_start3A_317] : memref<2x16x96xi32, #tpu.memory_space<vmem>> -> memref<1x16x96xi32, #tpu.memory_space<vmem>>
        %dma_start3A_319 = tpu.memref_squeeze %dma_start3A_318 : memref<1x16x96xi32, #tpu.memory_space<vmem>> -> memref<16x96xi32, #tpu.memory_space<vmem>>
        %dma_start3A_320 = arith.constant 0 : i32
        %dma_start3A_321 = tpu.memref_slice %arg3[%add3A, %mul3A_308, %dma_start3A_320] : memref<32x112x96xi32, #tpu.memory_space<hbm>> -> memref<1x16x96xi32, #tpu.memory_space<hbm>>
        %dma_start3A_322 = tpu.memref_squeeze %dma_start3A_321 : memref<1x16x96xi32, #tpu.memory_space<hbm>> -> memref<16x96xi32, #tpu.memory_space<hbm>>
        tpu.enqueue_dma source(%dma_start3A_322 : memref<16x96xi32, #tpu.memory_space<hbm>>) target(%dma_start3A_319 : memref<16x96xi32, #tpu.memory_space<vmem>>) target_semaphore(%arg19 : memref<!tpu.dma_semaphore, #tpu.memory_space<semaphore_mem>>)
        %mul3A_323 = arith.constant 16 : i32
        %mul3A_324 = arith.muli %add3A_304, %mul3A_323 : i32
        %dma_start3A_325 = arith.constant 0 : i32
        %dma_start3A_326 = arith.constant 0 : i32
        %dma_start3A_327 = tpu.memref_slice %arg8[%rem3A_306, %dma_start3A_325, %dma_start3A_326] : memref<2x16x96xi32, #tpu.memory_space<vmem>> -> memref<1x16x96xi32, #tpu.memory_space<vmem>>
        %dma_start3A_328 = tpu.memref_squeeze %dma_start3A_327 : memref<1x16x96xi32, #tpu.memory_space<vmem>> -> memref<16x96xi32, #tpu.memory_space<vmem>>
        %dma_start3A_329 = arith.constant 0 : i32
        %dma_start3A_330 = tpu.memref_slice %arg4[%add3A, %mul3A_324, %dma_start3A_329] : memref<32x112x96xi32, #tpu.memory_space<hbm>> -> memref<1x16x96xi32, #tpu.memory_space<hbm>>
        %dma_start3A_331 = tpu.memref_squeeze %dma_start3A_330 : memref<1x16x96xi32, #tpu.memory_space<hbm>> -> memref<16x96xi32, #tpu.memory_space<hbm>>
        %dma_start3A_332 = arith.constant 0 : i32
        %dma_start3A_333 = arith.constant 0 : i32
        %dma_start3A_334 = tpu.memref_slice %arg8[%rem3A_306, %dma_start3A_332, %dma_start3A_333] : memref<2x16x96xi32, #tpu.memory_space<vmem>> -> memref<1x16x96xi32, #tpu.memory_space<vmem>>
        %dma_start3A_335 = tpu.memref_squeeze %dma_start3A_334 : memref<1x16x96xi32, #tpu.memory_space<vmem>> -> memref<16x96xi32, #tpu.memory_space<vmem>>
        %dma_start3A_336 = arith.constant 0 : i32
        %dma_start3A_337 = tpu.memref_slice %arg4[%add3A, %mul3A_324, %dma_start3A_336] : memref<32x112x96xi32, #tpu.memory_space<hbm>> -> memref<1x16x96xi32, #tpu.memory_space<hbm>>
        %dma_start3A_338 = tpu.memref_squeeze %dma_start3A_337 : memref<1x16x96xi32, #tpu.memory_space<hbm>> -> memref<16x96xi32, #tpu.memory_space<hbm>>
        tpu.enqueue_dma source(%dma_start3A_338 : memref<16x96xi32, #tpu.memory_space<hbm>>) target(%dma_start3A_335 : memref<16x96xi32, #tpu.memory_space<vmem>>) target_semaphore(%arg20 : memref<!tpu.dma_semaphore, #tpu.memory_space<semaphore_mem>>)
      } else {
      }
      %add3A_294 = arith.constant 3 : i32
      %add3A_295 = arith.addi %add3A_236, %add3A_294 : i32
      %sub3A_296 = arith.constant 1 : i32
      %sub3A_297 = arith.subi %add3A_295, %sub3A_296 : i32
      %lt3A_298 = arith.constant 105 : i32
      %lt3A_299 = arith.cmpi slt, %sub3A_297, %lt3A_298 : i32
      %convert_element_type3A_300 = arith.extui %lt3A_299 : i1 to i32
      %cond3A_301 = arith.constant 0 : i32
      %cond3A_302 = arith.cmpi ne, %convert_element_type3A_300, %cond3A_301 : i32
      scf.if %cond3A_302 {
        %jit3A_303 = arith.constant 16 : i32
        %div3A_304 = arith.divsi %sub3A_297, %jit3A_303 : i32
        %sign3A_305 = arith.constant 0 : i32
        %sign3A_306 = arith.cmpi sgt, %sub3A_297, %sign3A_305 : i32
        %sign3A_307 = arith.extui %sign3A_306 : i1 to i32
        %sign3A_308 = arith.constant 0 : i32
        %sign3A_309 = arith.cmpi slt, %sub3A_297, %sign3A_308 : i32
        %sign3A_310 = arith.extui %sign3A_309 : i1 to i32
        %sign3A_311 = arith.subi %sign3A_307, %sign3A_310 : i32
        %sign3A_312 = arith.constant 0 : i32
        %sign3A_313 = arith.cmpi sgt, %jit3A_303, %sign3A_312 : i32
        %sign3A_314 = arith.extui %sign3A_313 : i1 to i32
        %sign3A_315 = arith.constant 0 : i32
        %sign3A_316 = arith.cmpi slt, %jit3A_303, %sign3A_315 : i32
        %sign3A_317 = arith.extui %sign3A_316 : i1 to i32
        %sign3A_318 = arith.subi %sign3A_314, %sign3A_317 : i32
        %ne3A_319 = arith.cmpi ne, %sign3A_311, %sign3A_318 : i32
        %rem3A_320 = arith.remsi %sub3A_297, %jit3A_303 : i32
        %ne3A_321 = arith.constant 0 : i32
        %ne3A_322 = arith.cmpi ne, %rem3A_320, %ne3A_321 : i32
        %and3A_323 = arith.andi %ne3A_319, %ne3A_322 : i1
        %sub3A_324 = arith.constant 1 : i32
        %sub3A_325 = arith.subi %div3A_304, %sub3A_324 : i32
        %select_n3A_326 = arith.select %and3A_323, %sub3A_325, %div3A_304 : i32
        %rem3A_327 = arith.constant 2 : i32
        %rem3A_328 = arith.remsi %select_n3A_326, %rem3A_327 : i32
        %rem3A_329 = arith.constant 16 : i32
        %rem3A_330 = arith.remsi %sub3A_297, %rem3A_329 : i32
        %eq3A_331 = arith.constant 0 : i32
        %eq3A_332 = arith.cmpi eq, %rem3A_330, %eq3A_331 : i32
        %convert_element_type3A_333 = arith.extui %eq3A_332 : i1 to i32
        %cond3A_334 = arith.constant 0 : i32
        %cond3A_335 = arith.cmpi ne, %convert_element_type3A_333, %cond3A_334 : i32
        scf.if %cond3A_335 {
          %mul3A_342 = arith.constant 16 : i32
          %mul3A_343 = arith.muli %select_n3A_326, %mul3A_342 : i32
          %dma_wait3A_344 = arith.constant 0 : i32
          %dma_wait3A_345 = arith.constant 0 : i32
          %dma_wait3A_346 = tpu.memref_slice %arg7[%rem3A_328, %dma_wait3A_344, %dma_wait3A_345] : memref<2x16x96xi32, #tpu.memory_space<vmem>> -> memref<1x16x96xi32, #tpu.memory_space<vmem>>
          %dma_wait3A_347 = tpu.memref_squeeze %dma_wait3A_346 : memref<1x16x96xi32, #tpu.memory_space<vmem>> -> memref<16x96xi32, #tpu.memory_space<vmem>>
          %dma_wait3A_348 = arith.constant 0 : i32
          %dma_wait3A_349 = tpu.memref_slice %arg3[%add3A, %mul3A_343, %dma_wait3A_348] : memref<32x112x96xi32, #tpu.memory_space<hbm>> -> memref<1x16x96xi32, #tpu.memory_space<hbm>>
          %dma_wait3A_350 = tpu.memref_squeeze %dma_wait3A_349 : memref<1x16x96xi32, #tpu.memory_space<hbm>> -> memref<16x96xi32, #tpu.memory_space<hbm>>
          %dma_wait3A_351 = arith.constant 0 : i32
          %dma_wait3A_352 = arith.constant 0 : i32
          %dma_wait3A_353 = tpu.memref_slice %arg7[%rem3A_328, %dma_wait3A_351, %dma_wait3A_352] : memref<2x16x96xi32, #tpu.memory_space<vmem>> -> memref<1x16x96xi32, #tpu.memory_space<vmem>>
          %dma_wait3A_354 = tpu.memref_squeeze %dma_wait3A_353 : memref<1x16x96xi32, #tpu.memory_space<vmem>> -> memref<16x96xi32, #tpu.memory_space<vmem>>
          %dma_wait3A_355 = arith.constant 0 : i32
          %dma_wait3A_356 = tpu.memref_slice %arg3[%add3A, %mul3A_343, %dma_wait3A_355] : memref<32x112x96xi32, #tpu.memory_space<hbm>> -> memref<1x16x96xi32, #tpu.memory_space<hbm>>
          %dma_wait3A_357 = tpu.memref_squeeze %dma_wait3A_356 : memref<1x16x96xi32, #tpu.memory_space<hbm>> -> memref<16x96xi32, #tpu.memory_space<hbm>>
          tpu.wait_dma2 semaphore(%arg19 : memref<!tpu.dma_semaphore, #tpu.memory_space<semaphore_mem>>) src(%dma_wait3A_357 : memref<16x96xi32, #tpu.memory_space<hbm>>) dst(%dma_wait3A_354 : memref<16x96xi32, #tpu.memory_space<vmem>>)
          %mul3A_358 = arith.constant 16 : i32
          %mul3A_359 = arith.muli %select_n3A_326, %mul3A_358 : i32
          %dma_wait3A_360 = arith.constant 0 : i32
          %dma_wait3A_361 = arith.constant 0 : i32
          %dma_wait3A_362 = tpu.memref_slice %arg8[%rem3A_328, %dma_wait3A_360, %dma_wait3A_361] : memref<2x16x96xi32, #tpu.memory_space<vmem>> -> memref<1x16x96xi32, #tpu.memory_space<vmem>>
          %dma_wait3A_363 = tpu.memref_squeeze %dma_wait3A_362 : memref<1x16x96xi32, #tpu.memory_space<vmem>> -> memref<16x96xi32, #tpu.memory_space<vmem>>
          %dma_wait3A_364 = arith.constant 0 : i32
          %dma_wait3A_365 = tpu.memref_slice %arg4[%add3A, %mul3A_359, %dma_wait3A_364] : memref<32x112x96xi32, #tpu.memory_space<hbm>> -> memref<1x16x96xi32, #tpu.memory_space<hbm>>
          %dma_wait3A_366 = tpu.memref_squeeze %dma_wait3A_365 : memref<1x16x96xi32, #tpu.memory_space<hbm>> -> memref<16x96xi32, #tpu.memory_space<hbm>>
          %dma_wait3A_367 = arith.constant 0 : i32
          %dma_wait3A_368 = arith.constant 0 : i32
          %dma_wait3A_369 = tpu.memref_slice %arg8[%rem3A_328, %dma_wait3A_367, %dma_wait3A_368] : memref<2x16x96xi32, #tpu.memory_space<vmem>> -> memref<1x16x96xi32, #tpu.memory_space<vmem>>
          %dma_wait3A_370 = tpu.memref_squeeze %dma_wait3A_369 : memref<1x16x96xi32, #tpu.memory_space<vmem>> -> memref<16x96xi32, #tpu.memory_space<vmem>>
          %dma_wait3A_371 = arith.constant 0 : i32
          %dma_wait3A_372 = tpu.memref_slice %arg4[%add3A, %mul3A_359, %dma_wait3A_371] : memref<32x112x96xi32, #tpu.memory_space<hbm>> -> memref<1x16x96xi32, #tpu.memory_space<hbm>>
          %dma_wait3A_373 = tpu.memref_squeeze %dma_wait3A_372 : memref<1x16x96xi32, #tpu.memory_space<hbm>> -> memref<16x96xi32, #tpu.memory_space<hbm>>
          tpu.wait_dma2 semaphore(%arg20 : memref<!tpu.dma_semaphore, #tpu.memory_space<semaphore_mem>>) src(%dma_wait3A_373 : memref<16x96xi32, #tpu.memory_space<hbm>>) dst(%dma_wait3A_370 : memref<16x96xi32, #tpu.memory_space<vmem>>)
        } else {
        }
        %dma_start3A_336 = arith.constant 0 : i32
        %dma_start3A_337 = tpu.memref_slice %arg7[%rem3A_328, %rem3A_330, %dma_start3A_336] : memref<2x16x96xi32, #tpu.memory_space<vmem>> -> memref<1x1x96xi32, #tpu.memory_space<vmem>>
        %dma_start3A_338 = tpu.memref_squeeze %dma_start3A_337 : memref<1x1x96xi32, #tpu.memory_space<vmem>> -> memref<96xi32, #tpu.memory_space<vmem>>
        %dma_start3A_339 = arith.constant 0 : i32
        %dma_start3A_340 = arith.constant 0 : i32
        %dma_start3A_341 = tpu.memref_slice %arg2[%dma_start3A_339, %dma_start3A_340] : memref<10000x128xf32, #tpu.memory_space<hbm>> -> memref<10000x128xf32, #tpu.memory_space<hbm>>
        tpu.enqueue_indirect_dma source(%dma_start3A_341 : memref<10000x128xf32, #tpu.memory_space<hbm>>) target(%arg10 : memref<96x128xf32, #tpu.memory_space<vmem>>) offsets(%dma_start3A_338 : memref<96xi32, #tpu.memory_space<vmem>>) semaphore(%arg14 : memref<!tpu.dma_semaphore, #tpu.memory_space<semaphore_mem>>)
      } else {
      }
    }
    %scan3A_91 = arith.constant 35 : i32
    %dma_wait3A_92 = arith.constant 0 : i32
    %dma_wait3A_93 = arith.constant 8 : i32
    %dma_wait3A_94 = arith.constant 0 : i32
    %dma_wait3A_95 = tpu.memref_slice %arg8[%dma_wait3A_92, %dma_wait3A_93, %dma_wait3A_94] : memref<2x16x96xi32, #tpu.memory_space<vmem>> -> memref<1x1x96xi32, #tpu.memory_space<vmem>>
    %dma_wait3A_96 = tpu.memref_squeeze %dma_wait3A_95 : memref<1x1x96xi32, #tpu.memory_space<vmem>> -> memref<96xi32, #tpu.memory_space<vmem>>
    %dma_wait3A_97 = arith.constant 0 : i32
    %dma_wait3A_98 = arith.constant 0 : i32
    %dma_wait3A_99 = tpu.memref_slice %arg12[%dma_wait3A_97, %dma_wait3A_98] : memref<10008x128xf32, #tpu.memory_space<vmem_shared>> -> memref<10008x128xf32, #tpu.memory_space<vmem_shared>>
    tpu.wait_indirect_dma semaphore(%arg18 : memref<!tpu.dma_semaphore, #tpu.memory_space<semaphore_mem>>) src(%arg11 : memref<96x128xf32, #tpu.memory_space<vmem>>) dst(%dma_wait3A_99 : memref<10008x128xf32, #tpu.memory_space<vmem_shared>>)
    %barrier3A_100 = arith.constant 0 : index
    tpu.barrier barrier_id(%barrier3A_100)
    "tpu.region"() ({
      %run_scoped3A = tpu.sem_alloc : memref<!tpu.dma_semaphore, #tpu.memory_space<semaphore_mem>>
      %dma_start3A_106 = arith.constant 0 : i32
      %dma_start3A_107 = tpu.memref_slice %arg6[%arg0, %mul3A_2, %dma_start3A_106] : memref<2x10000x128xf32, #tpu.memory_space<hbm>> -> memref<1x624x128xf32, #tpu.memory_space<hbm>>
      %dma_start3A_108 = tpu.memref_squeeze %dma_start3A_107 : memref<1x624x128xf32, #tpu.memory_space<hbm>> -> memref<624x128xf32, #tpu.memory_space<hbm>>
      %dma_start3A_109 = arith.constant 0 : i32
      %dma_start3A_110 = tpu.memref_slice %arg12[%mul3A_2, %dma_start3A_109] : memref<10008x128xf32, #tpu.memory_space<vmem_shared>> -> memref<624x128xf32, #tpu.memory_space<vmem_shared>>
      tpu.enqueue_dma source(%dma_start3A_110 : memref<624x128xf32, #tpu.memory_space<vmem_shared>>) target(%dma_start3A_108 : memref<624x128xf32, #tpu.memory_space<hbm>>) target_semaphore(%run_scoped3A : memref<!tpu.dma_semaphore, #tpu.memory_space<semaphore_mem>>)
      %dma_wait3A_111 = arith.constant 0 : i32
      %dma_wait3A_112 = tpu.memref_slice %arg6[%arg0, %mul3A_2, %dma_wait3A_111] : memref<2x10000x128xf32, #tpu.memory_space<hbm>> -> memref<1x624x128xf32, #tpu.memory_space<hbm>>
      %dma_wait3A_113 = tpu.memref_squeeze %dma_wait3A_112 : memref<1x624x128xf32, #tpu.memory_space<hbm>> -> memref<624x128xf32, #tpu.memory_space<hbm>>
      %dma_wait3A_114 = arith.constant 0 : i32
      %dma_wait3A_115 = tpu.memref_slice %arg12[%mul3A_2, %dma_wait3A_114] : memref<10008x128xf32, #tpu.memory_space<vmem_shared>> -> memref<624x128xf32, #tpu.memory_space<vmem_shared>>
      tpu.wait_dma2 semaphore(%run_scoped3A : memref<!tpu.dma_semaphore, #tpu.memory_space<semaphore_mem>>) src(%dma_wait3A_115 : memref<624x128xf32, #tpu.memory_space<vmem_shared>>) dst(%dma_wait3A_113 : memref<624x128xf32, #tpu.memory_space<hbm>>)
      tpu.yield
    }) : () -> ()
    %eq3A_101 = arith.constant 15 : i32
    %eq3A_102 = arith.cmpi eq, %arg1, %eq3A_101 : i32
    %convert_element_type3A_103 = arith.extui %eq3A_102 : i1 to i32
    %cond3A_104 = arith.constant 0 : i32
    %cond3A_105 = arith.cmpi ne, %convert_element_type3A_103, %cond3A_104 : i32
    scf.if %cond3A_105 {
      "tpu.region"() ({
        %run_scoped3A = tpu.sem_alloc : memref<!tpu.dma_semaphore, #tpu.memory_space<semaphore_mem>>
        %dma_start3A_106 = arith.constant 9984 : i32
        %dma_start3A_107 = arith.constant 0 : i32
        %dma_start3A_108 = tpu.memref_slice %arg6[%arg0, %dma_start3A_106, %dma_start3A_107] : memref<2x10000x128xf32, #tpu.memory_space<hbm>> -> memref<1x16x128xf32, #tpu.memory_space<hbm>>
        %dma_start3A_109 = tpu.memref_squeeze %dma_start3A_108 : memref<1x16x128xf32, #tpu.memory_space<hbm>> -> memref<16x128xf32, #tpu.memory_space<hbm>>
        %dma_start3A_110 = arith.constant 9984 : i32
        %dma_start3A_111 = arith.constant 0 : i32
        %dma_start3A_112 = tpu.memref_slice %arg12[%dma_start3A_110, %dma_start3A_111] : memref<10008x128xf32, #tpu.memory_space<vmem_shared>> -> memref<16x128xf32, #tpu.memory_space<vmem_shared>>
        tpu.enqueue_dma source(%dma_start3A_112 : memref<16x128xf32, #tpu.memory_space<vmem_shared>>) target(%dma_start3A_109 : memref<16x128xf32, #tpu.memory_space<hbm>>) target_semaphore(%run_scoped3A : memref<!tpu.dma_semaphore, #tpu.memory_space<semaphore_mem>>)
        %dma_wait3A_113 = arith.constant 9984 : i32
        %dma_wait3A_114 = arith.constant 0 : i32
        %dma_wait3A_115 = tpu.memref_slice %arg6[%arg0, %dma_wait3A_113, %dma_wait3A_114] : memref<2x10000x128xf32, #tpu.memory_space<hbm>> -> memref<1x16x128xf32, #tpu.memory_space<hbm>>
        %dma_wait3A_116 = tpu.memref_squeeze %dma_wait3A_115 : memref<1x16x128xf32, #tpu.memory_space<hbm>> -> memref<16x128xf32, #tpu.memory_space<hbm>>
        %dma_wait3A_117 = arith.constant 9984 : i32
        %dma_wait3A_118 = arith.constant 0 : i32
        %dma_wait3A_119 = tpu.memref_slice %arg12[%dma_wait3A_117, %dma_wait3A_118] : memref<10008x128xf32, #tpu.memory_space<vmem_shared>> -> memref<16x128xf32, #tpu.memory_space<vmem_shared>>
        tpu.wait_dma2 semaphore(%run_scoped3A : memref<!tpu.dma_semaphore, #tpu.memory_space<semaphore_mem>>) src(%dma_wait3A_119 : memref<16x128xf32, #tpu.memory_space<vmem_shared>>) dst(%dma_wait3A_116 : memref<16x128xf32, #tpu.memory_space<hbm>>)
        tpu.yield
      }) : () -> ()
    } else {
    }
    return
  }
}

module attributes {stable_mosaic.version = 14 : i64} {
  func.func @_encode_body(%arg0: i32, %arg1: memref<1000x128xf32, #tpu.memory_space<vmem>>, %arg2: memref<128x128xf32, #tpu.memory_space<vmem>>, %arg3: memref<1x128xf32, #tpu.memory_space<vmem>>, %arg4: memref<1000x128xf32, #tpu.memory_space<vmem>>) attributes {dimension_semantics = [#tpu.dimension_semantics<arbitrary>], iteration_bounds = array<i64: 10>, scalar_prefetch = 0 : i64, scratch_operands = 0 : i64, tpu.core_type = #tpu.core_type<tc>, window_params = [{transform_indices = @transform_0, window_bounds = array<i64: 1000, 128>}, {pipeline_mode = #tpu.pipeline_mode<synchronous>, transform_indices = @transform_1, window_bounds = array<i64: 128, 128>}, {pipeline_mode = #tpu.pipeline_mode<synchronous>, transform_indices = @transform_2, window_bounds = array<i64: 1, 128>}, {transform_indices = @transform_3, window_bounds = array<i64: 1000, 128>}]} {
    %get3A = arith.constant 0 : index
    %get3A_0 = arith.constant 0 : index
    %get3A_1 = vector.load %arg1[%get3A, %get3A_0] : memref<1000x128xf32, #tpu.memory_space<vmem>>, vector<1000x128xf32>
    %get3A_2 = arith.constant 0 : index
    %get3A_3 = arith.constant 0 : index
    %get3A_4 = vector.load %arg2[%get3A_2, %get3A_3] : memref<128x128xf32, #tpu.memory_space<vmem>>, vector<128x128xf32>
    %dot_general3A = arith.constant dense<0.000000e+00> : vector<1000x128xf32>
    %dot_general3A_5 = tpu.matmul %get3A_1, %get3A_4, %dot_general3A {dimension_numbers = #tpu.dot_dimension_numbers<[1], [0], [0], [1], [0, 0, 1, 1], [], []>, transpose_lhs_hint = false} : vector<1000x128xf32>, vector<128x128xf32>, vector<1000x128xf32> -> vector<1000x128xf32>
    %get3A_6 = arith.constant 0 : index
    %get3A_7 = arith.constant 0 : index
    %get3A_8 = vector.load %arg3[%get3A_6, %get3A_7] : memref<1x128xf32, #tpu.memory_space<vmem>>, vector<1x128xf32>
    %add3A = vector.broadcast %get3A_8 : vector<1x128xf32> to vector<1000x128xf32>
    %add3A_9 = arith.addf %dot_general3A_5, %add3A : vector<1000x128xf32>
    %max3A = arith.constant 0.000000e+00 : f32
    %max3A_10 = vector.broadcast %max3A : f32 to vector<1000x128xf32>
    %max3A_11 = arith.maximumf %add3A_9, %max3A_10 : vector<1000x128xf32>
    %swap3A = arith.constant 0 : index
    %swap3A_12 = arith.constant 0 : index
    %swap3A_13 = vector.load %arg4[%swap3A, %swap3A_12] : memref<1000x128xf32, #tpu.memory_space<vmem>>, vector<1000x128xf32>
    tpu.vector_store %arg4[%swap3A, %swap3A_12], %max3A_11 {strides = array<i32>} : memref<1000x128xf32, #tpu.memory_space<vmem>>, vector<1000x128xf32>,
    return
  }
  func.func @transform_0(%arg0: i32) -> (i32, i32) {
    %c0_i32 = arith.constant 0 : i32
    %c0_i32_0 = arith.constant 0 : i32
    return %arg0, %c0_i32 : i32, i32
  }
  func.func @transform_1(%arg0: i32) -> (i32, i32) {
    %c0_i32 = arith.constant 0 : i32
    %c0_i32_0 = arith.constant 0 : i32
    %c0_i32_1 = arith.constant 0 : i32
    return %c0_i32, %c0_i32_0 : i32, i32
  }
  func.func @transform_2(%arg0: i32) -> (i32, i32) {
    %c0_i32 = arith.constant 0 : i32
    %c0_i32_0 = arith.constant 0 : i32
    %c0_i32_1 = arith.constant 0 : i32
    return %c0_i32, %c0_i32_0 : i32, i32
  }
  func.func @transform_3(%arg0: i32) -> (i32, i32) {
    %c0_i32 = arith.constant 0 : i32
    %c0_i32_0 = arith.constant 0 : i32
    return %arg0, %c0_i32 : i32, i32
  }
}

module attributes {stable_mosaic.version = 14 : i64} {
  func.func @_final_body(%arg0: i32, %arg1: memref<2x1000x128xf32, #tpu.memory_space<vmem>>, %arg2: memref<1000x128xf32, #tpu.memory_space<vmem>>, %arg3: memref<128x128xf32, #tpu.memory_space<vmem>>, %arg4: memref<1x128xf32, #tpu.memory_space<vmem>>, %arg5: memref<128x128xf32, #tpu.memory_space<vmem>>, %arg6: memref<1x128xf32, #tpu.memory_space<vmem>>, %arg7: memref<128x1xf32, #tpu.memory_space<vmem>>, %arg8: memref<1x1xf32, #tpu.memory_space<vmem>>, %arg9: memref<1000x1xf32, #tpu.memory_space<vmem>>) attributes {dimension_semantics = [#tpu.dimension_semantics<arbitrary>], iteration_bounds = array<i64: 10>, scalar_prefetch = 0 : i64, scratch_operands = 0 : i64, tpu.core_type = #tpu.core_type<tc>, window_params = [{transform_indices = @transform_0, window_bounds = array<i64: 2, 1000, 128>}, {transform_indices = @transform_1, window_bounds = array<i64: 1000, 128>}, {pipeline_mode = #tpu.pipeline_mode<synchronous>, transform_indices = @transform_2, window_bounds = array<i64: 128, 128>}, {pipeline_mode = #tpu.pipeline_mode<synchronous>, transform_indices = @transform_3, window_bounds = array<i64: 1, 128>}, {pipeline_mode = #tpu.pipeline_mode<synchronous>, transform_indices = @transform_4, window_bounds = array<i64: 128, 128>}, {pipeline_mode = #tpu.pipeline_mode<synchronous>, transform_indices = @transform_5, window_bounds = array<i64: 1, 128>}, {pipeline_mode = #tpu.pipeline_mode<synchronous>, transform_indices = @transform_6, window_bounds = array<i64: 128, 1>}, {pipeline_mode = #tpu.pipeline_mode<synchronous>, transform_indices = @transform_7, window_bounds = array<i64: 1, 1>}, {transform_indices = @transform_8, window_bounds = array<i64: 1000, 1>}]} {
    %get3A = arith.constant 0 : index
    %get3A_0 = arith.constant 0 : index
    %get3A_1 = arith.constant 0 : index
    %get3A_2 = vector.load %arg1[%get3A, %get3A_0, %get3A_1] : memref<2x1000x128xf32, #tpu.memory_space<vmem>>, vector<1x1000x128xf32>
    %get3A_3 = vector.shape_cast %get3A_2 : vector<1x1000x128xf32> to vector<1000x128xf32>
    %get3A_4 = arith.constant 1 : index
    %get3A_5 = arith.constant 0 : index
    %get3A_6 = arith.constant 0 : index
    %get3A_7 = vector.load %arg1[%get3A_4, %get3A_5, %get3A_6] : memref<2x1000x128xf32, #tpu.memory_space<vmem>>, vector<1x1000x128xf32>
    %get3A_8 = vector.shape_cast %get3A_7 : vector<1x1000x128xf32> to vector<1000x128xf32>
    %add3A = arith.addf %get3A_3, %get3A_8 : vector<1000x128xf32>
    %get3A_9 = arith.constant 0 : index
    %get3A_10 = arith.constant 0 : index
    %get3A_11 = vector.load %arg3[%get3A_9, %get3A_10] : memref<128x128xf32, #tpu.memory_space<vmem>>, vector<128x128xf32>
    %dot_general3A = arith.constant dense<0.000000e+00> : vector<1000x128xf32>
    %dot_general3A_12 = tpu.matmul %add3A, %get3A_11, %dot_general3A {dimension_numbers = #tpu.dot_dimension_numbers<[1], [0], [0], [1], [0, 0, 1, 1], [], []>, transpose_lhs_hint = false} : vector<1000x128xf32>, vector<128x128xf32>, vector<1000x128xf32> -> vector<1000x128xf32>
    %get3A_13 = arith.constant 0 : index
    %get3A_14 = arith.constant 0 : index
    %get3A_15 = vector.load %arg4[%get3A_13, %get3A_14] : memref<1x128xf32, #tpu.memory_space<vmem>>, vector<1x128xf32>
    %add3A_16 = vector.broadcast %get3A_15 : vector<1x128xf32> to vector<1000x128xf32>
    %add3A_17 = arith.addf %dot_general3A_12, %add3A_16 : vector<1000x128xf32>
    %max3A = arith.constant 0.000000e+00 : f32
    %max3A_18 = vector.broadcast %max3A : f32 to vector<1000x128xf32>
    %max3A_19 = arith.maximumf %add3A_17, %max3A_18 : vector<1000x128xf32>
    %get3A_20 = arith.constant 0 : index
    %get3A_21 = arith.constant 0 : index
    %get3A_22 = vector.load %arg2[%get3A_20, %get3A_21] : memref<1000x128xf32, #tpu.memory_space<vmem>>, vector<1000x128xf32>
    %add3A_23 = arith.addf %max3A_19, %get3A_22 : vector<1000x128xf32>
    %get3A_24 = arith.constant 0 : index
    %get3A_25 = arith.constant 0 : index
    %get3A_26 = vector.load %arg5[%get3A_24, %get3A_25] : memref<128x128xf32, #tpu.memory_space<vmem>>, vector<128x128xf32>
    %dot_general3A_27 = arith.constant dense<0.000000e+00> : vector<1000x128xf32>
    %dot_general3A_28 = tpu.matmul %add3A_23, %get3A_26, %dot_general3A_27 {dimension_numbers = #tpu.dot_dimension_numbers<[1], [0], [0], [1], [0, 0, 1, 1], [], []>, transpose_lhs_hint = false} : vector<1000x128xf32>, vector<128x128xf32>, vector<1000x128xf32> -> vector<1000x128xf32>
    %get3A_29 = arith.constant 0 : index
    %get3A_30 = arith.constant 0 : index
    %get3A_31 = vector.load %arg6[%get3A_29, %get3A_30] : memref<1x128xf32, #tpu.memory_space<vmem>>, vector<1x128xf32>
    %add3A_32 = vector.broadcast %get3A_31 : vector<1x128xf32> to vector<1000x128xf32>
    %add3A_33 = arith.addf %dot_general3A_28, %add3A_32 : vector<1000x128xf32>
    %max3A_34 = arith.constant 0.000000e+00 : f32
    %max3A_35 = vector.broadcast %max3A_34 : f32 to vector<1000x128xf32>
    %max3A_36 = arith.maximumf %add3A_33, %max3A_35 : vector<1000x128xf32>
    %get3A_37 = arith.constant 0 : index
    %get3A_38 = arith.constant 0 : index
    %get3A_39 = vector.load %arg7[%get3A_37, %get3A_38] : memref<128x1xf32, #tpu.memory_space<vmem>>, vector<128x1xf32>
    %dot_general3A_40 = arith.constant dense<0.000000e+00> : vector<1000x1xf32>
    %dot_general3A_41 = tpu.matmul %max3A_36, %get3A_39, %dot_general3A_40 {dimension_numbers = #tpu.dot_dimension_numbers<[1], [0], [0], [1], [0, 0, 1, 1], [], []>, transpose_lhs_hint = false} : vector<1000x128xf32>, vector<128x1xf32>, vector<1000x1xf32> -> vector<1000x1xf32>
    %get3A_42 = arith.constant 0 : index
    %get3A_43 = arith.constant 0 : index
    %get3A_44 = vector.load %arg8[%get3A_42, %get3A_43] : memref<1x1xf32, #tpu.memory_space<vmem>>, vector<1x1xf32>
    %add3A_45 = vector.broadcast %get3A_44 : vector<1x1xf32> to vector<1000x1xf32>
    %add3A_46 = arith.addf %dot_general3A_41, %add3A_45 : vector<1000x1xf32>
    %swap3A = arith.constant 0 : index
    %swap3A_47 = arith.constant 0 : index
    %swap3A_48 = vector.load %arg9[%swap3A, %swap3A_47] : memref<1000x1xf32, #tpu.memory_space<vmem>>, vector<1000x1xf32>
    tpu.vector_store %arg9[%swap3A, %swap3A_47], %add3A_46 {strides = array<i32>} : memref<1000x1xf32, #tpu.memory_space<vmem>>, vector<1000x1xf32>,
    return
  }
  func.func @transform_0(%arg0: i32) -> (i32, i32, i32) {
    %c0_i32 = arith.constant 0 : i32
    %c0_i32_0 = arith.constant 0 : i32
    %c0_i32_1 = arith.constant 0 : i32
    return %c0_i32, %arg0, %c0_i32_0 : i32, i32, i32
  }
  func.func @transform_1(%arg0: i32) -> (i32, i32) {
    %c0_i32 = arith.constant 0 : i32
    %c0_i32_0 = arith.constant 0 : i32
    return %arg0, %c0_i32 : i32, i32
  }
  func.func @transform_2(%arg0: i32) -> (i32, i32) {
    %c0_i32 = arith.constant 0 : i32
    %c0_i32_0 = arith.constant 0 : i32
    %c0_i32_1 = arith.constant 0 : i32
    return %c0_i32, %c0_i32_0 : i32, i32
  }
  func.func @transform_3(%arg0: i32) -> (i32, i32) {
    %c0_i32 = arith.constant 0 : i32
    %c0_i32_0 = arith.constant 0 : i32
    %c0_i32_1 = arith.constant 0 : i32
    return %c0_i32, %c0_i32_0 : i32, i32
  }
  func.func @transform_4(%arg0: i32) -> (i32, i32) {
    %c0_i32 = arith.constant 0 : i32
    %c0_i32_0 = arith.constant 0 : i32
    %c0_i32_1 = arith.constant 0 : i32
    return %c0_i32, %c0_i32_0 : i32, i32
  }
  func.func @transform_5(%arg0: i32) -> (i32, i32) {
    %c0_i32 = arith.constant 0 : i32
    %c0_i32_0 = arith.constant 0 : i32
    %c0_i32_1 = arith.constant 0 : i32
    return %c0_i32, %c0_i32_0 : i32, i32
  }
  func.func @transform_6(%arg0: i32) -> (i32, i32) {
    %c0_i32 = arith.constant 0 : i32
    %c0_i32_0 = arith.constant 0 : i32
    %c0_i32_1 = arith.constant 0 : i32
    return %c0_i32, %c0_i32_0 : i32, i32
  }
  func.func @transform_7(%arg0: i32) -> (i32, i32) {
    %c0_i32 = arith.constant 0 : i32
    %c0_i32_0 = arith.constant 0 : i32
    %c0_i32_1 = arith.constant 0 : i32
    return %c0_i32, %c0_i32_0 : i32, i32
  }
  func.func @transform_8(%arg0: i32) -> (i32, i32) {
    %c0_i32 = arith.constant 0 : i32
    %c0_i32_0 = arith.constant 0 : i32
    return %arg0, %c0_i32 : i32, i32
  }
}

</mosaic_0001>

<sc_bundles>
// kernel: kernel.5.cloned.1.call-start
scs
__scs_entry_jumppad:
0x0: {  	(pc) =	sbr.rel $0x88, $3  }
0x1: {  	(tag) =	ssettag $0x0;
	lr =	simm.s32 $0x1  }
0x2: {  	[smem:$0x3F97] =	sst lr;
	_ =	strace $0xD0000000  }
0x3: {  	_ = 	snop  }
0x4: {  	_ = 	snop  }
0x5: {  	_ = 	snop  }
0x6: {  	_ = 	snop  }
0x7: {  	_ = 	snop  }
__scs_overlays_trampoline_lowered:
0x8: {  	[smem:$0x3FA6] =	sst s0  }
0x9: {  	[smem:$0x3FA7] =	sst s1  }
0xa: {  	[smem:$0x3FA8] =	sst s2  }
0xb: {  	[smem:$0x3FA9] =	sst s3  }
0xc: {  	[smem:$0x3FAA] =	sst s4  }
0xd: {  	[smem:$0x3FAB] =	sst s5  }
0xe: {  	[smem:$0x3FAC] =	sst s6  }
0xf: {  	[smem:$0x3FAD] =	sst s7  }
0x10: {  	[smem:$0x3FAE] =	sst s8  }
0x11: {  	[smem:$0x3FAF] =	sst s9;
	s0 =	simm.s32 @!p0 $0x0  }
0x12: {  	s1 =	sld [smem:$0x3F95];
	s0 =	simm.s32 @p0 $0x1  }
0x13: {  	[smem:$0x3FB0] =	sst s0;
	s0 =	simm.s32 @!p1 $0x0  }
0x14: {  	s2 =	sld [smem:$0x3F94];
	s0 =	simm.s32 @p1 $0x1  }
0x15: {  	[smem:$0x3FB1] =	sst s0;
	s0 =	simm.s32 @!p2 $0x0  }
0x16: {  	s3 =	sld [smem:$0x3FDB];
	s0 =	simm.s32 @p2 $0x1  }
0x17: {  	s4 =	simm.s32 $0x1BF5;
	[smem:$0x3FB3] =	sst s0  }
0x18: {  	s0 =	sld [smem:$0x3F96];
	_ =	swait.ge [sflag:s4], $0x0  }
0x19: {  	s7 =	sld [smem:$0x3F97]  }
0x1a: {  	s8 =	sadd.s32 $0xFFFFE003, lr  }
0x1b: {  	s9 =	sadd.s32 $0xFFFFFEF7, lr;
	s5 =	simm.s32 $0xFFFFFFFF;
	p2 =	slt.u32 s8, $0xFFFFF086  }
0x1c: {  	p1 =	slt.u32 s9, $0xF7A;
	s5 =	simm.s32 @!p2 $0x0  }
0x1d: {  	s5 =	simm.s32 @p1 $0x1;
	p0 =	seq.s32 s7, s2  }
0x1e: {  	s7 =	smul.u32 @!p0 $0xF7A, s2;
	p2 =	seq.s32 @!p0 s5, $0x0  }
0x1f: {  	s9 =	smul.u32 $0xF7A, s1;
	s8 =	simm.s32 @!p0 $0x1BF5;
	p2 =	por !p2, p0  }
0x20: {  	[sflag:s8] =	ssyncset.s32 @!p0 $0xFFFFF086;
	s6 =	sadd.s32 @!p0 s3, s7;
	s7 =	simm.s32 @!p0 $0x108  }
0x21: {  	s3 =	sadd.s32 s3, s9;
	s6 =	sadd.s32 @!p0 $0x88, s6;
	s7 =	simm.s32 @p2 $0x1082  }
0x22: {  	[simem:s7], [sflag:s8] =	dma.local @!p0 [hbm:s6], $0xF7A  }
0x23: {  	s9 =	sor.u32 $0xD0000000, s2;
	s6 =	simm.s32 $0x108;
	_ =	swait.ge @!p0 [sflag:s8], $0x0  }
0x24: {  	s3 =	sadd.s32 $0x88, s3;
	s6 =	simm.s32 @!p1 $0x1082;
	[sflag:s4] =	ssyncset.s32 $0xFFFFF086  }
0x25: {  	[simem:s6], [sflag:s4] =	dma.local [hbm:s3], $0xF7A  }
0x26: {  	[smem:$0x3F97] =	sst s1;
	(tag) =	ssettag s2;
	_ =	strace s9  }
0x27: {  	s1 =	sld [smem:$0x3FA7]  }
0x28: {  	s2 =	sld [smem:$0x3FA8]  }
0x29: {  	s4 =	sld [smem:$0x3FAA]  }
0x2a: {  	p0 =	seq.s32 s5, $0x0;
	s5 =	sld [smem:$0x3FAB]  }
0x2b: {  	s6 =	sld [smem:$0x3FAC]  }
0x2c: {  	s7 =	sld [smem:$0x3FAD]  }
0x2d: {  	s3 =	simm.s32 $0x108;
	s8 =	sld [smem:$0x3FAE]  }
0x2e: {  	s3 =	simm.s32 @!p0 $0x1082;
	s9 =	sld [smem:$0x3FAF]  }
0x2f: {  	lr =	sadd.s32 s0, s3;
	s0 =	sld [smem:$0x3FA6]  }
0x30: {  	s3 =	sld [smem:$0x3FA9]  }
0x31: {  	[smem:$0x3FB2] =	sst s10  }
0x32: {  	s10 =	sld [smem:$0x3FB0];
	_ =	sdelay $0x3  }
0x33: {  	p0 =	seq.s32 s10, $0x1;
	s10 =	sld [smem:$0x3FB2];
	_ =	sdelay $0x3  }
0x34: {  	[smem:$0x3FB2] =	sst s10  }
0x35: {  	s10 =	sld [smem:$0x3FB1];
	_ =	sdelay $0x3  }
0x36: {  	p1 =	seq.s32 s10, $0x1;
	s10 =	sld [smem:$0x3FB2];
	_ =	sdelay $0x3  }
0x37: {  	[smem:$0x3FB2] =	sst s10  }
0x38: {  	s10 =	sld [smem:$0x3FB3]  }
0x39: {  	_ = 	snop;
	(pc) =	sbr.ind lr, $3  }
0x3a: {  	_ = 	snop  }
0x3b: {  	_ = 	snop  }
0x3c: {  	p2 =	seq.s32 s10, $0x1;
	s10 =	sld [smem:$0x3FB2]  }
0x3d: {  	_ =	shalt  }
0x3e: {  	_ =	shalt  }
0x3f: {  	_ =	shalt  }
0x40: {  	_ =	shalt  }
0x41: {  	_ =	shalt  }
0x42: {  	_ =	shalt  }
0x43: {  	_ =	shalt  }
0x44: {  	_ =	shalt  }
0x45: {  	_ =	shalt  }
0x46: {  	_ =	shalt  }
0x47: {  	_ =	shalt  }
0x48: {  	_ =	shalt  }
0x49: {  	_ =	shalt  }
0x4a: {  	_ =	shalt  }
0x4b: {  	_ =	shalt  }
0x4c: {  	_ =	shalt  }
0x4d: {  	_ =	shalt  }
0x4e: {  	_ =	shalt  }
0x4f: {  	_ =	shalt  }
0x50: {  	_ =	shalt  }
0x51: {  	_ =	shalt  }
0x52: {  	_ =	shalt  }
0x53: {  	_ =	shalt  }
0x54: {  	_ =	shalt  }
0x55: {  	_ =	shalt  }
0x56: {  	_ =	shalt  }
0x57: {  	_ =	shalt  }
0x58: {  	_ =	shalt  }
0x59: {  	_ =	shalt  }
0x5a: {  	_ =	shalt  }
0x5b: {  	_ =	shalt  }
0x5c: {  	_ =	shalt  }
0x5d: {  	_ =	shalt  }
0x5e: {  	_ =	shalt  }
0x5f: {  	_ =	shalt  }
0x60: {  	_ =	shalt  }
0x61: {  	_ =	shalt  }
0x62: {  	_ =	shalt  }
0x63: {  	_ =	shalt  }
0x64: {  	_ =	shalt  }
0x65: {  	_ =	shalt  }
0x66: {  	_ =	shalt  }
0x67: {  	_ =	shalt  }
0x68: {  	_ =	shalt  }
0x69: {  	_ =	shalt  }
0x6a: {  	_ =	shalt  }
0x6b: {  	_ =	shalt  }
0x6c: {  	_ =	shalt  }
0x6d: {  	_ =	shalt  }
0x6e: {  	_ =	shalt  }
0x6f: {  	_ =	shalt  }
0x70: {  	_ =	shalt  }
0x71: {  	_ =	shalt  }
0x72: {  	_ =	shalt  }
0x73: {  	_ =	shalt  }
0x74: {  	_ =	shalt  }
0x75: {  	_ =	shalt  }
0x76: {  	_ =	shalt  }
0x77: {  	_ =	shalt  }
0x78: {  	_ =	shalt  }
0x79: {  	_ =	shalt  }
0x7a: {  	_ =	shalt  }
0x7b: {  	_ =	shalt  }
0x7c: {  	_ =	shalt  }
0x7d: {  	_ =	shalt  }
0x7e: {  	_ =	shalt  }
0x7f: {  	_ =	shalt  }
0x80: {  	_ =	shalt  }
0x81: {  	_ =	shalt  }
0x82: {  	_ =	shalt  }
0x83: {  	_ =	shalt  }
0x84: {  	_ =	shalt  }
0x85: {  	_ =	shalt  }
0x86: {  	_ =	shalt  }
0x87: {  	_ =	shalt  }
.Lfunc_end0:
.L_simem_size_0:
called_computation_lowered:
.L_overlay_start_0:
0x88: {  	s2 =	sld [smem:$0x3FD9]  }
0x89: {  	s3 =	sld [smem:$0x3FFE];
	_ =	sdelay $0x1  }
0x8a: {  	s1 =	srdreg.scid  }
0x8b: {  	s0 =	sand.u32 $0x1, s1  }
0x8c: {  	s16 =	sshll.u32 s0, $0xA;
	s2 =	sadd.s32 s3, s2  }
0x8d: {  	s2 =	sadd.s32 s2, s16  }
0x8e: {  	[smem:$0x3FBE] =	sst s2  }
0x8f: {  	_ = 	snop  }
0x90: {  	(tm) =	ssettm $0x1  }
0x91: {  	s17 =	sld [smem:$0x3FFB];
	_ =	sdelay $0x3  }
0x92: {  	_ =	strace s17  }
0x93: {  	s2 =	sld [smem:$0x3FFC];
	_ =	sdelay $0x3  }
0x94: {  	_ =	strace s2  }
0x95: {  	s2 =	sld [smem:$0x3FFD];
	_ =	sdelay $0x3  }
0x96: {  	_ =	strace s2  }
0x97: {  	_ =	strace $0x8FFFFFFF  }
0x98: {  	s18 =	sld [smem:$0x3FDB];
	_ =	sdelay $0x1  }
0x99: {  	s19 =	simm.s32 $_scs_section_size  }
0x9a: {  	s4 =	simm.s32 $_size__tile_overlayer_lowered;
	s5 =	simm.s32 $_tile_overlayer_lowered  }
0x9b: {  	s22 =	simm.s32 $0x1BFF;
	s21 =	sshll.u32 s5, $0x1;
	s2 =	sadd.s32 s19, s18  }
0x9c: {  	s6 =	simm.s32 $0x0;
	s20 =	sshll.u32 s4, $0x1;
	s4 =	sadd.s32 s21, s2  }
0x9d: {  	[timem:s6], [sflag:s22] =	dma.local [hbm:s4], s20  }
0x9e: {  	_ =	swait.ge [sflag:s22], s20  }
0x9f: {  	s3 =	ssub.s32 $0x0, s20;
	[sflag:s22] =	ssyncset.done $0x0  }
0xa0: {  	[sflag:s22] =	ssyncadd.s32 s3;
	_ =	sdelay $0x1  }
0xa1: {  	s23 =	simm.s32 $0x1B8B  }
0xa2: {  	_ =	swait.ge [sflag:s23], $0x1  }
0xa3: {  	[sflag:s23] =	ssyncset.done $0x0  }
0xa4: {  	s25 =	simm.s32 $0x1B8E;
	s24 =	sld [smem:$0x3FFE];
	[sflag:s23] =	ssyncadd.s32 $0xFFFFFFFF  }
0xa5: {  	s26 =	simm.s32 $execute0_lowered;
	[smem:$0x3FD2] =	sst s25  }
0xa6: {  	s4 =	sshll.u32 s26, $0x1;
	_ =	strace $0x80000046;
	[dreg:$0x1] =	wrdreg $0xFFFFFFFF  }
0xa7: {  	s28 =	simm.s32 $_size_execute0_lowered;
	s2 =	sadd.s32 s2, s4;
	[dreg:$0x0] =	wrdreg $0x0  }
0xa8: {  	s4 =	sshll.u32 s28, $0x1;
	[dreg:$0x2] =	wrdreg s2  }
0xa9: {  	[dreg:$0x3] =	wrdreg s4  }
0xaa: {  	[dreg:$0x4] =	wrdreg $0xC0  }
0xab: {  	_ =	task [dreg:s6], $0x5FFFF  }
0xac: {  	[dreg:$0x1] =	wrdreg $0xFFFFFFFF  }
0xad: {  	[dreg:$0x0] =	wrdreg $0x60  }
0xae: {  	[dreg:$0x2] =	wrdreg s24  }
0xaf: {  	[dreg:$0x3] =	wrdreg $0xB0000  }
0xb0: {  	[dreg:$0x4] =	wrdreg $0x9  }
0xb1: {  	_ =	task.clear_ibuf [dreg:s6], $0x5FFFF;
	_ =	strace $0x90000046  }
0xb2: {  	s29 =	simm.s32 $0x9;
	_ =	strace $0x80000048  }
0xb3: {  	_ =	swait.ge [sflag:s29], $0x1  }
0xb4: {  	[sflag:s29] =	ssyncadd.s32 $0xFFFFFFFF  }
0xb5: {  	_ =	strace $0x90000048  }
0xb6: {  	_ =	sfence  }
0xb7: {  	s30 =	sld [smem:$0x0];
	_ =	sdelay $0x2  }
0xb8: {  	s31 =	sshll.u32 s1, $0xD;
	s1 =	sshrl.u32 s1, $0x2  }
0xb9: {  	s3 =	sand.u32 $0x4000, s31;
	s1 =	sadd.s32 s1, s30  }
0xba: {  	s0 =	sor.u32 s3, s0;
	s1 =	sshll.u32 s1, $0x11  }
0xbb: {  	s0 =	sor.u32 s1, s0  }
0xbc: {  	s0 =	sadd.s32 $0x8F2B, s0  }
0xbd: {  	[sflag:s0] =	ssyncadd.remote.s32 $0x1  }
0xbe: {  	_ =	sfence.sel $0xFFFF  }
0xbf: {  	[dreg:$0x0] =	wrdreg $0xFFFFFFFF;
	(pc) =	sbr.abs _section_cstart, $3  }
0xc0: {  	[dreg:$0x1] =	wrdreg $0xFFFFFFFF  }
0xc1: {  	_ =	task.clear_ibuf [dreg:s6], $0x2FFFF;
	_ =	strace $0x9FFFFFFF  }
0xc2: {  	(tm) =	ssettm $0x7FFFFFFF  }
0xc3: {  	_ =	shalt  }
tec
execute0_lowered:
.L_overlay_start_1:
0x0: {  	(tag) =	ssettag $0x1  }
0x1: {  	s0 =	rddreg [dreg:$0x0]  }
0x2: {  	s1 =	rddreg [dreg:$0x1];
	s3 =	simm.s32 $0x0  }
0x3: {  	s14 =	stileid.u32;
	s2 =	srdreg.scid;
	s18 =	simm.s32 $0x9  }
0x4: {  	s28 =	simm.s32 $0x8000;
	s29 =	simm.s32 $0x2;
	s30 =	simm.s32 $0x4  }
0x5: {  	s31 =	simm.s32 $0x3;
	s16 =	simm.s32 $0x0;
	[smem:$0x7FF] =	sst s3  }
0x6: {  	s4 =	sadd.s32 $0x1DA00, s0;
	s8 =	smul.u32 $0x13800, s14;
	s2 =	sand.u32 $0x1, s2  }
0x7: {  	s7 =	sshll.u32 s14, $0x1;
	s5 =	sadd.s32 $0x1A00, s0;
	s6 =	sadd.s32 $0xFA00, s0  }
0x8: {  	s12 =	smul.u32 $0x4E000, s14;
	s13 =	sadd.s32 $0x6BE00, s0;
	s23 =	sshll.u32 s14, $0x6  }
0x9: {  	p0 =	sne.s32 s14, $0xF;
	_ =	strace $0x80000047;
	s7 =	sor.u32 s2, s7  }
0xa: {  	s10 =	ssub.s32 $0x2, s2;
	s2 =	smul.u32 $0x138800, s2;
	s9 =	sshrl.u32 s8, $0x3  }
0xb: {  	s7 =	smul.u32 $0x3800, s7;
	s11 =	sshrl.u32 s10, $0x1;
	s12 =	sshrl.u32 s12, $0x2  }
0xc: {  	s9 =	sadd.s32 s9, s0;
	s10 =	ssub.s32 s10, s11;
	s12 =	sadd.s32 s12, s1  }
0xd: {  	s8 =	sadd.s32 s8, s2;
	s2 =	sshrl.u32 s2, $0x3;
	s0 =	sadd.s32 $0x6BC00, s0  }
0xe: {  	s22 =	sshrl.u32 s7, $0x3;
	s9 =	sadd.s32 $0x44C00, s9;
	s8 =	sshrl.u32 s8, $0x3  }
0xf: {  	[dreg:$0x6] =	wrdreg s0;
	s25 =	sadd.s32 s13, s2;
	s26 =	smax.u32 s10, $0x1  }
0x10: {  	s17 =	sshrl.u32 s12, $0x3;
	s2 =	simm.s32 $0x6;
	[dreg:$0x5] =	wrdreg s9  }
0x11: {  	s15 =	sadd.s32 s5, s22;
	s11 =	sadd.s32 s6, s22;
	[dreg:$0x9] =	wrdreg s26  }
.Ltmp0:
0x12: {  	s9 =	sadd.s32 $0x138000, s1;
	[dreg:$0x3] =	wrdreg s15;
	(pc) =	sbr.rel .LBB2_1-.Ltmp0, $4  }
0x13: {  	s24 =	sadd.s32 s13, s8;
	s0 =	sadd.s32 $0x27000, s25;
	[dreg:$0x4] =	wrdreg s11  }
0x14: {  	s22 =	simm.s32 $0x60;
	s25 =	simm.s32 $0x5000;
	[dreg:$0x7] =	wrdreg s24  }
0x15: {  	s26 =	simm.s32 $0x1;
	s11 =	sor.u32 $0x1C09, s23;
	[dreg:$0x8] =	wrdreg s0  }
0x16: {  	s19 =	sshrl.u32 @!p0 s9, $0x3;
	s23 =	simm.s32 $0x2000;
	s0 =	simm.s32 $0x5  }
.LBB2_7:
0x17: {  	_ =	swait.ge [sflag:s2], $0x3000  }
0x18: {  	[sflag:s2] =	ssyncset.done $0x0  }
0x19: {  	[sflag:s2] =	ssyncadd.s32 $0xFFFFD000  }
0x1a: {  	[bflag:$0x0] =	sbarrier.arrive $0xFFFF  }
0x1b: {  	s8 =	rddreg [dreg:$0x7]  }
0x1c: {  	[hbm:s8], [sflag:s11] =	dma.local [spmem:s17], $0x2700  }
0x1d: {  	_ =	swait.ge [sflag:s18], $0x2700  }
0x1e: {  	[sflag:s18] =	ssyncset.done $0x0  }
0x1f: {  	s8 =	rddreg [dreg:$0x8];
	[sflag:s18] =	ssyncadd.s32 $0xFFFFD900  }
0x20: {  	[hbm:s8], [sflag:s11] =	dma.local @!p0 [spmem:s19], $0x100  }
0x21: {  	s8 =	simm.s32 @!p0 $0x9  }
0x22: {  	_ =	swait.ge @!p0 [sflag:s8], $0x100  }
0x23: {  	s16 =	sadd.s32 $0x1, s16;
	s9 =	rddreg [dreg:$0x9]  }
0x24: {  	p1 =	sne.s32 s16, s9  }
.Ltmp1:
0x25: {  	_ = 	snop;
	(pc) =	sbr.rel @!p1 .LBB2_8-.Ltmp1, $3  }
0x26: {  	_ =	sdelay $0x1  }
0x27: {  	[sflag:s8] =	ssyncset.done @!p0 $0x0  }
0x28: {  	[sflag:s8] =	ssyncadd.s32 @!p0 $0xFFFFFF00  }
.LBB2_1:
0x29: {  	s8 =	rddreg [dreg:$0x3]  }
0x2a: {  	s14 =	rddreg [dreg:$0x4]  }
0x2b: {  	[tilespmem:s3], [sflag:$0x7] =	stream.linear.gather [hbm4b:s8+s3], $0x800, $0x38;
	[tilespmem:$0x1E8C0] =	vst v63  }
0x2c: {  	s9 =	simm.s32 $0x1000;
	s15 =	rddreg [dreg:$0x5]  }
0x2d: {  	[tilespmem:s9], [sflag:$0x8] =	stream.linear.gather [hbm4b:s14+s3], $0x800, $0x38;
	[tilespmem:$0x1E8C0] =	vst v63  }
0x2e: {  	[spmem:s17], [sflag:s11] =	dma.local [hbm:s15], $0x2700  }
0x2f: {  	_ =	swait.ge [sflag:s18], $0x2700  }
0x30: {  	[sflag:s18] =	ssyncset.done $0x0  }
0x31: {  	s8 =	rddreg [dreg:$0x6];
	[sflag:s18] =	ssyncadd.s32 $0xFFFFD900  }
0x32: {  	[spmem:s19], [sflag:s11] =	dma.local @!p0 [hbm:s8], $0x100  }
0x33: {  	s8 =	simm.s32 @!p0 $0x9  }
0x34: {  	_ =	swait.ge @!p0 [sflag:s8], $0x100  }
0x35: {  	[sflag:s8] =	ssyncset.done @!p0 $0x0  }
0x36: {  	[sflag:s8] =	ssyncadd.s32 @!p0 $0xFFFFFF00  }
0x37: {  	s20 =	simm.s32 $0x7;
	[bflag:$0x0] =	sbarrier.arrive $0xFFFF  }
0x38: {  	_ =	swait.ge [sflag:s20], $0x800  }
0x39: {  	[sflag:s20] =	ssyncset.done $0x0  }
0x3a: {  	s21 =	simm.s32 $0x8;
	[sflag:s20] =	ssyncadd.s32 $0xFFFFF800  }
0x3b: {  	_ =	swait.ge [sflag:s21], $0x800  }
0x3c: {  	[sflag:s21] =	ssyncset.done $0x0  }
.Ltmp2:
0x3d: {  	[sflag:s21] =	ssyncadd.s32 $0xFFFFF800;
	(pc) =	sbr.rel .LBB2_2-.Ltmp2, $4  }
0x3e: {  	[tilespmem:s23], [sflag:$0x1] =	stream.indirect.gather [hbm4b:s4+s22], $0x80, s3, s22, $0xb8;
	[tilespmem:$0x1E8C0] =	vst v63  }
0x3f: {  	s24 =	simm.s32 $0x80  }
0x40: {  	[tilespmem:s25], [sflag:$0x2] =	stream.indirect.gather [hbm4b:s4+s22], $0x80, s24, s22, $0xb8;
	[tilespmem:$0x1E8C0] =	vst v63  }
0x41: {  	s9 =	simm.s32 $0x0;
	s8 =	simm.s32 $0x0;
	s24 =	simm.s32 $0x800  }
.LBB2_3:
0x42: {  	s14 =	sshrl.u32 s14, $0x4  }
0x43: {  	s14 =	sshll.u32 s14, $0xB  }
0x44: {  	s14 =	sadd.s32 $0x800, s14  }
0x45: {  	s15 =	sadd.s32 s7, s14  }
0x46: {  	s15 =	sshrl.u32 s15, $0x3  }
0x47: {  	s14 =	sand.u32 $0x800, s14;
	s20 =	sadd.s32 s5, s15  }
0x48: {  	[tilespmem:s14], [sflag:$0x7] =	stream.linear.gather [hbm4b:s20+s3], $0x800, $0x38;
	[tilespmem:$0x1E8C0] =	vst v63  }
0x49: {  	s15 =	sadd.s32 s6, s15;
	s14 =	sor.u32 $0x1000, s14  }
0x4a: {  	[tilespmem:s14], [sflag:$0x8] =	stream.linear.gather [hbm4b:s15+s3], $0x800, $0x38;
	[tilespmem:$0x1E8C0] =	vst v63  }
.LBB2_5:
0x4b: {  	s14 =	sadd.s32 $0x3, s8  }
0x4c: {  	s14 =	sand.u32 $0xF, s14  }
0x4d: {  	p2 =	sne.s32 s14, $0x0  }
0x4e: {  	s15 =	simm.s32 @!p2 $0x7  }
0x4f: {  	_ =	swait.ge @!p2 [sflag:s15], $0x800  }
0x50: {  	[sflag:s15] =	ssyncset.done @!p2 $0x0  }
0x51: {  	s20 =	sadd.s32 $0xFFFFFE00, s24;
	[sflag:s15] =	ssyncadd.s32 @!p2 $0xFFFFF800;
	s15 =	simm.s32 @!p2 $0x8  }
0x52: {  	s20 =	sand.u32 $0x2000, s20;
	_ =	swait.ge @!p2 [sflag:s15], $0x800  }
0x53: {  	s20 =	sshrl.u32 s20, $0x2;
	s14 =	sshll.u32 s14, $0x7;
	[sflag:s15] =	ssyncset.done @!p2 $0x0  }
0x54: {  	s14 =	sor.u32 s14, s20;
	[sflag:s15] =	ssyncadd.s32 @!p2 $0xFFFFF800;
	p2 =	por $0x0, $0x0  }
0x55: {  	[tilespmem:s23], [sflag:$0x1] =	stream.indirect.gather [hbm4b:s4+s22], $0x80, s14, s22, $0xb8;
	[tilespmem:$0x1E8C0] =	vst v63  }
.LBB2_6:
0x56: {  	s14 =	sshll.u32 s10, $0x7  }
0x57: {  	_ =	swait.ge [sflag:s31], $0x3000;
	s13 =	sshrl.u32 s13, $0x2;
	p3 =	sne.s32 @!p1 s12, $0x0  }
0x58: {  	s10 =	sshrl.u32 s10, $0x4;
	s14 =	sand.u32 $0x800, s14;
	p1 =	por p3, p1  }
0x59: {  	[sflag:s31] =	ssyncset.done $0x0;
	s13 =	sor.u32 s13, s14;
	s10 =	sshll.u32 @!p1 s10, $0xB  }
0x5a: {  	[sflag:s31] =	ssyncadd.s32 $0xFFFFD000;
	s13 =	sor.u32 $0x1000, s13;
	s10 =	sadd.s32 @!p1 $0x800, s10  }
0x5b: {  	[spmem:s1] =	stream.indirect.scatter.add.f32 [tilespmem:s28], [sflag:$0x6], $0x80, s13, s22, $0xb8;
	[tilespmem:$0x1E8C0] =	vst v63  }
0x5c: {  	s12 =	sadd.s32 @!p1 s7, s10;
	_ =	swait.ge [sflag:s0], $0x3000  }
0x5d: {  	s14 =	simm.s32 @!p1 $0x0;
	s12 =	sshrl.u32 @!p1 s12, $0x3;
	[sflag:s0] =	ssyncset.done $0x0  }
0x5e: {  	s10 =	sand.u32 @!p1 $0x800, s10;
	s13 =	sadd.s32 @!p1 s5, s12;
	[sflag:s0] =	ssyncadd.s32 $0xFFFFD000  }
0x5f: {  	[tilespmem:s10], [sflag:$0x7] =	stream.linear.gather @!p1 [hbm4b:s13+s14], $0x800, $0x38;
	[tilespmem:$0x1E8C0] =	vst v63  }
0x60: {  	s12 =	sadd.s32 @!p1 s6, s12;
	s10 =	sor.u32 @!p1 $0x1000, s10  }
0x61: {  	[tilespmem:s10], [sflag:$0x8] =	stream.linear.gather @!p1 [hbm4b:s12+s14], $0x800, $0x38;
	[tilespmem:$0x1E8C0] =	vst v63  }
0x62: {  	s10 =	sadd.s32 @!p2 $0x4, s8  }
0x63: {  	s10 =	sand.u32 @!p2 $0xF, s10  }
0x64: {  	p1 =	sne.s32 @!p2 s10, $0x0  }
0x65: {  	p1 =	por p1, p2  }
0x66: {  	s12 =	simm.s32 @!p1 $0x7  }
0x67: {  	_ =	swait.ge @!p1 [sflag:s12], $0x800  }
0x68: {  	[sflag:s12] =	ssyncset.done @!p1 $0x0  }
0x69: {  	[sflag:s12] =	ssyncadd.s32 @!p1 $0xFFFFF800;
	s12 =	simm.s32 @!p1 $0x8  }
0x6a: {  	_ =	swait.ge @!p1 [sflag:s12], $0x800  }
0x6b: {  	s8 =	sadd.s32 $0x3, s8;
	[sflag:s12] =	ssyncset.done @!p1 $0x0  }
0x6c: {  	[sflag:s12] =	ssyncadd.s32 @!p1 $0xFFFFF800;
	p1 =	sne.s32 s8, $0x69  }
.Ltmp3:
0x6d: {  	_ = 	snop;
	(pc) =	sbr.rel @!p1 .LBB2_7-.Ltmp3, $4  }
0x6e: {  	s9 =	sadd.s32 $0x1, s9;
	s13 =	sand.u32 @!p2 $0x2000, s24  }
0x6f: {  	s24 =	sadd.s32 $0x600, s24;
	s10 =	sshll.u32 @!p2 s10, $0x7;
	s12 =	sshrl.u32 @!p2 s13, $0x2  }
0x70: {  	s13 =	simm.s32 @!p2 $0x5000;
	s10 =	sor.u32 @!p2 s10, s12;
	s12 =	simm.s32 @!p2 $0x60  }
0x71: {  	[tilespmem:s13], [sflag:$0x2] =	stream.indirect.gather @!p2 [hbm4b:s4+s12], $0x80, s10, s12, $0xb8;
	[tilespmem:$0x1E8C0] =	vst v63  }
.LBB2_2:
0x72: {  	s10 =	sand.u32 $0xF, s8;
	s12 =	sshll.u32 s8, $0x7  }
0x73: {  	_ =	swait.ge [sflag:s26], $0x3000;
	p1 =	sgt.u32 s9, $0x1F;
	p3 =	seq.s32 s8, $0x0  }
0x74: {  	s12 =	sand.u32 $0x800, s12;
	s13 =	sshll.u32 s10, $0x7;
	[sflag:s26] =	ssyncset.done $0x0  }
0x75: {  	p2 =	sne.s32 @!p1 s10, $0x0;
	s10 =	sshrl.u32 s8, $0x4;
	s12 =	sor.u32 s13, s12  }
0x76: {  	[sflag:s26] =	ssyncadd.s32 $0xFFFFD000;
	p2 =	por p2, p1;
	s12 =	sor.u32 $0x1000, s12  }
0x77: {  	[spmem:s1] =	stream.indirect.scatter.add.f32 [tilespmem:s23], [sflag:$0x4], $0x80, s12, s22, $0xb8;
	[tilespmem:$0x1E8C0] =	vst v63  }
0x78: {  	s10 =	sshll.u32 @!p2 s10, $0xB;
	s12 =	simm.s32 @!p3 $0x6  }
0x79: {  	s10 =	sadd.s32 @!p2 $0x800, s10;
	_ =	swait.ge @!p3 [sflag:s12], $0x3000  }
0x7a: {  	s13 =	sadd.s32 @!p2 s7, s10;
	[sflag:s12] =	ssyncset.done @!p3 $0x0  }
0x7b: {  	[sflag:s12] =	ssyncadd.s32 @!p3 $0xFFFFD000;
	s12 =	sshrl.u32 @!p2 s13, $0x3  }
0x7c: {  	s14 =	simm.s32 @!p2 $0x0;
	s10 =	sand.u32 @!p2 $0x800, s10;
	s13 =	sadd.s32 @!p2 s5, s12  }
0x7d: {  	[tilespmem:s10], [sflag:$0x7] =	stream.linear.gather @!p2 [hbm4b:s13+s14], $0x800, $0x38;
	[tilespmem:$0x1E8C0] =	vst v63  }
0x7e: {  	s12 =	sadd.s32 @!p2 s6, s12;
	s10 =	sor.u32 @!p2 $0x1000, s10  }
0x7f: {  	[tilespmem:s10], [sflag:$0x8] =	stream.linear.gather @!p2 [hbm4b:s12+s14], $0x800, $0x38;
	[tilespmem:$0x1E8C0] =	vst v63  }
0x80: {  	s10 =	sadd.s32 $0x2, s8  }
0x81: {  	s12 =	sand.u32 $0xF, s10  }
0x82: {  	p2 =	sne.s32 s12, $0x0  }
0x83: {  	s13 =	simm.s32 @!p2 $0x7  }
0x84: {  	_ =	swait.ge @!p2 [sflag:s13], $0x800  }
0x85: {  	[sflag:s13] =	ssyncset.done @!p2 $0x0  }
0x86: {  	s20 =	sadd.s32 $0xFFFFFC00, s24;
	s14 =	simm.s32 @!p2 $0x8;
	[sflag:s13] =	ssyncadd.s32 @!p2 $0xFFFFF800  }
0x87: {  	s15 =	sand.u32 $0x2000, s20;
	s13 =	sshll.u32 s12, $0x9;
	_ =	swait.ge @!p2 [sflag:s14], $0x800  }
0x88: {  	s15 =	sor.u32 s13, s15;
	[sflag:s14] =	ssyncset.done @!p2 $0x0  }
0x89: {  	s21 =	sshrl.u32 s15, $0x2;
	[sflag:s14] =	ssyncadd.s32 @!p2 $0xFFFFF800;
	s14 =	sadd.s32 $0x1, s8  }
0x8a: {  	[tilespmem:s28], [sflag:$0x3] =	stream.indirect.gather [hbm4b:s4+s22], $0x80, s21, s22, $0xb8;
	[tilespmem:$0x1E8C0] =	vst v63  }
0x8b: {  	s15 =	sand.u32 $0xF, s14;
	s20 =	sshll.u32 s14, $0x7;
	_ =	swait.ge [sflag:s29], $0x3000  }
0x8c: {  	s20 =	sand.u32 $0x800, s20;
	s21 =	sshll.u32 s15, $0x7;
	p2 =	sne.s32 @!p1 s15, $0x0  }
0x8d: {  	[sflag:s29] =	ssyncset.done $0x0;
	s20 =	sor.u32 s21, s20;
	p2 =	por p1, p2  }
.Ltmp4:
0x8e: {  	[sflag:s29] =	ssyncadd.s32 $0xFFFFD000;
	s20 =	sor.u32 $0x1000, s20;
	(pc) =	sbr.rel @!p2 .LBB2_3-.Ltmp4, $4  }
0x8f: {  	[spmem:s1] =	stream.indirect.scatter.add.f32 [tilespmem:s25], [sflag:$0x5], $0x80, s20, s22, $0xb8;
	[tilespmem:$0x1E8C0] =	vst v63  }
0x90: {  	_ =	swait.ge [sflag:s30], $0x3000  }
0x91: {  	[sflag:s30] =	ssyncset.done $0x0  }
0x92: {  	[sflag:s30] =	ssyncadd.s32 $0xFFFFD000  }
0x93: {  	p3 =	seq.s32 s8, $0x66  }
.Ltmp5:
0x94: {  	_ = 	snop;
	(pc) =	sbr.rel @p3 .LBB2_6-.Ltmp5, $4  }
.Ltmp6:
0x95: {  	_ = 	snop;
	(pc) =	sbr.rel @!p3 .LBB2_5-.Ltmp6, $4  }
0x96: {  	_ = 	snop  }
0x97: {  	_ = 	snop  }
0x98: {  	p2 =	por $0x1, $0x1  }
0x99: {  	_ = 	snop  }
.LBB2_8:
0x9a: {  	_ =	sfence.sel $0x180000  }
0x9b: {  	[bflag:$0x0] =	sbarrier.arrive $0xFFFF  }
0x9c: {  	_ =	strace $0x90000047  }
0x9d: {  	s0 =	stileid.u32;
	[bflag:$0x2] =	sbarrier.arrive $0xFFFF  }
0x9e: {  	p0 =	sne.s32 s0, $0x0;
	s0 =	rddreg [dreg:$0x2]  }
0x9f: {  	s0 =	sadd.s32 @!p0 $0x100000, s0  }
0xa0: {  	[sflag:s0] =	ssyncadd.tile.s32 @!p0 $0x1;
	_ =	shalt  }
.Lfunc_end2:
_tile_overlayer_lowered:
.L_overlay_start_2:
0xa1: {  	(tag) =	ssettag $0x2  }
0xa2: {  	s0 =	rddreg [dreg:$0x0];
	s2 =	stileid.u32  }
0xa3: {  	s1 =	rddreg [dreg:$0x1];
	p0 =	sne.s32 s2, $0x0  }
0xa4: {  	s3 =	rddreg [dreg:$0x2];
	[bflag:$0x3] =	sbarrier.arrive $0xFFFF;
	s2 =	simm.s32 @!p0 $0x1C09  }
0xa5: {  	[timem:s3], [sflag:s2] =	dma.local @!p0 [hbm:s0], s1  }
0xa6: {  	s0 =	simm.s32 @!p0 $0x9  }
0xa7: {  	_ =	swait.ge @!p0 [sflag:s0], s1  }
0xa8: {  	s1 =	ssub.s32 @!p0 $0x0, s1;
	[sflag:s0] =	ssyncset.done @!p0 $0x0  }
0xa9: {  	[sflag:s0] =	ssyncadd.s32 @!p0 s1  }
0xaa: {  	[bflag:$0x3] =	sbarrier.arrive $0xFFFF  }
0xab: {  	_ =	shalt  }

</sc_bundles>
